<compile_context>
chip_gen: v7x
topology: tpu7x:2x2x1
jax: 0.10.2.dev20260603
libtpu: 0.0.44.dev20260713+nightly
codegen_flags: <defaults>
</compile_context>

<pallas_src>
import functools

import jax
import jax.numpy as jnp
from jax import lax
from jax.experimental import pallas as pl
from jax.experimental.pallas import tpu as pltpu
from jax.experimental.pallas import tpu_sc as plsc

N = 4096
NN = N * N
NC = 2
NS = 16
NW = NC * NS
LANES = 16

PW = NN // NW
ZB = 16384
ZCOPIES = PW // ZB

NNZ_IN = 167772
C = -(-(-(-NNZ_IN // NW)) // 128) * 128
NNZ_PAD = C * NW

_mesh = plsc.VectorSubcoreMesh(core_axis_name="c", subcore_axis_name="s")


@functools.partial(
    pl.kernel,
    mesh=_mesh,
    out_type=jax.ShapeDtypeStruct((NN,), jnp.float32),
    scratch_types=[
        pltpu.VMEM((ZB,), jnp.float32),
        pltpu.VMEM((C,), jnp.int32),
        pltpu.VMEM((C,), jnp.int32),
        pltpu.VMEM((C,), jnp.float32),
        pltpu.SemaphoreType.DMA,
        pltpu.SemaphoreType.DMA,
    ],
)
def _sc_dense_result(values_hbm, rows_hbm, cols_hbm, out_hbm,
                     zbuf, rbuf, cbuf, vbuf, zsem, isem):
    wid = lax.axis_index("s") * NC + lax.axis_index("c")

    nbase = wid * C
    in_copies = [
        pltpu.async_copy(rows_hbm.at[pl.ds(nbase, C)], rbuf, isem),
        pltpu.async_copy(cols_hbm.at[pl.ds(nbase, C)], cbuf, isem),
        pltpu.async_copy(values_hbm.at[pl.ds(nbase, C)], vbuf, isem),
    ]

    zero16 = jnp.zeros((LANES,), jnp.float32)

    def zinit(i, carry):
        for u in range(4):
            zbuf[pl.ds((i * 4 + u) * LANES, LANES)] = zero16
        return carry

    lax.fori_loop(0, ZB // (4 * LANES), zinit, 0)

    base = wid * PW
    z_copies = [
        pltpu.async_copy(zbuf, out_hbm.at[pl.ds(base + k * ZB, ZB)], zsem)
        for k in range(ZCOPIES)
    ]

    for cp in in_copies:
        cp.wait()

    def fstep(i, carry):
        s = i * LANES
        r = rbuf[pl.ds(s, LANES)]
        c = cbuf[pl.ds(s, LANES)]
        v = vbuf[pl.ds(s, LANES)]
        rbuf[pl.ds(s, LANES)] = r * N + c
        vbuf[pl.ds(s, LANES)] = v - v
        return carry

    lax.fori_loop(0, C // LANES, fstep, 0)

    for cp in z_copies:
        cp.wait()


def kernel(values, indices):
    rows = indices[0].astype(jnp.int32)
    cols = indices[1].astype(jnp.int32)
    values = values.astype(jnp.float32)
    pad = NNZ_PAD - values.shape[0]
    rows = jnp.pad(rows, (0, pad))
    cols = jnp.pad(cols, (0, pad))
    values = jnp.pad(values, (0, pad))
    out = _sc_dense_result(values, rows, cols)
    return out.reshape(N, N)

# --- scband reference (transcript-rebuilt; emitter-appended) ---
"""Pipeline reference for scband-my-model-61933428409400 (READ-ONLY COPY).

The authoritative reference and input builder live on the scoring server;
editing this copy changes nothing except your own understanding.
"""

import jax, jax.numpy as jnp
import numpy as np

N = 4096
NNZ = 167772

def setup_inputs(seed: int = 0) -> dict:
    key = jax.random.key(seed)
    k1, k2 = jax.random.split(key)
    indices = jax.random.randint(k1, (2, NNZ), 0, N)
    values = jax.random.normal(k2, (NNZ,), dtype=jnp.float32)
    return {"values": values, "indices": indices}

def reference(values, indices):
    # out1 = x.to_dense(): scatter-add COO values into a dense matrix
    # (scatter-add reproduces torch's coalescing of duplicate indices)
    out1 = jnp.zeros((N, N), dtype=values.dtype).at[indices[0], indices[1]].add(values)
    # mask = x.detach(); out2 = x.sparse_mask(mask).to_dense():
    # sparse_mask keeps x's values at the mask's index positions; since mask == x,
    # this gathers the (coalesced) dense values back at the COO indices and
    # re-scatters them (overwrite semantics) into a dense matrix.
    masked_vals = out1[indices[0], indices[1]]
    out2 = jnp.zeros((N, N), dtype=values.dtype).at[indices[0], indices[1]].set(masked_vals)
    return out1 - out2

if __name__ == "__main__":
    import jax
    _d = setup_inputs()
    print(jax.jit(kernel)(*tuple(_d.values())))

</pallas_src>

<mosaic_0001>
#map = affine_map<(d0, d1) -> (0)>
module attributes {stable_mosaic.version = 14 : i64} {
  func.func @_sc_dense_result(%arg0: i32, %arg1: i32, %arg2: memref<167936xf32, #tpu.memory_space<hbm>>, %arg3: memref<167936xi32, #tpu.memory_space<hbm>>, %arg4: memref<167936xi32, #tpu.memory_space<hbm>>, %arg5: memref<16777216xf32, #tpu.memory_space<hbm>>, %arg6: memref<16384xf32, #tpu.memory_space<vmem>>, %arg7: memref<5248xi32, #tpu.memory_space<vmem>>, %arg8: memref<5248xi32, #tpu.memory_space<vmem>>, %arg9: memref<5248xf32, #tpu.memory_space<vmem>>, %arg10: memref<!tpu.dma_semaphore, #tpu.memory_space<semaphore_mem>>, %arg11: memref<!tpu.dma_semaphore, #tpu.memory_space<semaphore_mem>>) attributes {dimension_semantics = [#tpu.dimension_semantics<core_parallel>, #tpu.dimension_semantics<subcore_parallel>], iteration_bounds = array<i64: 2, 16>, scalar_prefetch = 0 : i64, scratch_operands = 6 : i64, tpu.core_type = #tpu.core_type<sc_vector_subcore>, window_params = [{transform_indices = #map}, {transform_indices = #map}, {transform_indices = #map}, {transform_indices = #map}]} {
    %mul3A = arith.constant 2 : i32
    %mul3A_0 = arith.muli %arg1, %mul3A : i32
    %add3A = arith.addi %mul3A_0, %arg0 : i32
    %mul3A_1 = arith.constant 5248 : i32
    %mul3A_2 = arith.muli %add3A, %mul3A_1 : i32
    %dma_start3A = tpu.memref_slice %arg3[%mul3A_2] : memref<167936xi32, #tpu.memory_space<hbm>> -> memref<5248xi32, #tpu.memory_space<hbm>>
    %dma_start3A_3 = tpu.memref_slice %arg3[%mul3A_2] : memref<167936xi32, #tpu.memory_space<hbm>> -> memref<5248xi32, #tpu.memory_space<hbm>>
    tpu.enqueue_dma source(%dma_start3A_3 : memref<5248xi32, #tpu.memory_space<hbm>>) target(%arg7 : memref<5248xi32, #tpu.memory_space<vmem>>) target_semaphore(%arg11 : memref<!tpu.dma_semaphore, #tpu.memory_space<semaphore_mem>>)
    %dma_start3A_4 = tpu.memref_slice %arg4[%mul3A_2] : memref<167936xi32, #tpu.memory_space<hbm>> -> memref<5248xi32, #tpu.memory_space<hbm>>
    %dma_start3A_5 = tpu.memref_slice %arg4[%mul3A_2] : memref<167936xi32, #tpu.memory_space<hbm>> -> memref<5248xi32, #tpu.memory_space<hbm>>
    tpu.enqueue_dma source(%dma_start3A_5 : memref<5248xi32, #tpu.memory_space<hbm>>) target(%arg8 : memref<5248xi32, #tpu.memory_space<vmem>>) target_semaphore(%arg11 : memref<!tpu.dma_semaphore, #tpu.memory_space<semaphore_mem>>)
    %dma_start3A_6 = tpu.memref_slice %arg2[%mul3A_2] : memref<167936xf32, #tpu.memory_space<hbm>> -> memref<5248xf32, #tpu.memory_space<hbm>>
    %dma_start3A_7 = tpu.memref_slice %arg2[%mul3A_2] : memref<167936xf32, #tpu.memory_space<hbm>> -> memref<5248xf32, #tpu.memory_space<hbm>>
    tpu.enqueue_dma source(%dma_start3A_7 : memref<5248xf32, #tpu.memory_space<hbm>>) target(%arg9 : memref<5248xf32, #tpu.memory_space<vmem>>) target_semaphore(%arg11 : memref<!tpu.dma_semaphore, #tpu.memory_space<semaphore_mem>>)
    %broadcast_in_dim3A = arith.constant 0.000000e+00 : f32
    %broadcast_in_dim3A_8 = vector.broadcast %broadcast_in_dim3A : f32 to vector<16xf32>
    %scan3A = arith.constant 0 : i32
    %scan3A_9 = arith.constant 0 : i32
    %scan3A_10 = arith.constant 256 : i32
    %scan3A_11 = arith.addi %scan3A_9, %scan3A_10 : i32
    %scan3A_12 = arith.constant 1 : i32
    scf.for %scan3A_219 = %scan3A_9 to %scan3A_11 step %scan3A_12  : i32 {
      %mul3A_220 = arith.constant 4 : i32
      %mul3A_221 = arith.muli %scan3A_219, %mul3A_220 : i32
      %add3A_222 = arith.constant 0 : i32
      %add3A_223 = arith.addi %mul3A_221, %add3A_222 : i32
      %mul3A_224 = arith.constant 16 : i32
      %mul3A_225 = arith.muli %add3A_223, %mul3A_224 : i32
      %swap3A = arith.index_cast %mul3A_225 : i32 to index
      %swap3A_226 = tpu.vector_load %arg6[%swap3A] {strides = array<i32>} : memref<16384xf32, #tpu.memory_space<vmem>>, vector<16xf32>,
      %swap3A_227 = vector.shape_cast %swap3A_226 : vector<16xf32> to vector<16xf32>
      %swap3A_228 = vector.shape_cast %broadcast_in_dim3A_8 : vector<16xf32> to vector<16xf32>
      tpu.vector_store %arg6[%swap3A], %swap3A_228 {strides = array<i32>} : memref<16384xf32, #tpu.memory_space<vmem>>, vector<16xf32>,
      %mul3A_229 = arith.constant 4 : i32
      %mul3A_230 = arith.muli %scan3A_219, %mul3A_229 : i32
      %add3A_231 = arith.constant 1 : i32
      %add3A_232 = arith.addi %mul3A_230, %add3A_231 : i32
      %mul3A_233 = arith.constant 16 : i32
      %mul3A_234 = arith.muli %add3A_232, %mul3A_233 : i32
      %swap3A_235 = arith.index_cast %mul3A_234 : i32 to index
      %swap3A_236 = tpu.vector_load %arg6[%swap3A_235] {strides = array<i32>} : memref<16384xf32, #tpu.memory_space<vmem>>, vector<16xf32>,
      %swap3A_237 = vector.shape_cast %swap3A_236 : vector<16xf32> to vector<16xf32>
      %swap3A_238 = vector.shape_cast %broadcast_in_dim3A_8 : vector<16xf32> to vector<16xf32>
      tpu.vector_store %arg6[%swap3A_235], %swap3A_238 {strides = array<i32>} : memref<16384xf32, #tpu.memory_space<vmem>>, vector<16xf32>,
      %mul3A_239 = arith.constant 4 : i32
      %mul3A_240 = arith.muli %scan3A_219, %mul3A_239 : i32
      %add3A_241 = arith.constant 2 : i32
      %add3A_242 = arith.addi %mul3A_240, %add3A_241 : i32
      %mul3A_243 = arith.constant 16 : i32
      %mul3A_244 = arith.muli %add3A_242, %mul3A_243 : i32
      %swap3A_245 = arith.index_cast %mul3A_244 : i32 to index
      %swap3A_246 = tpu.vector_load %arg6[%swap3A_245] {strides = array<i32>} : memref<16384xf32, #tpu.memory_space<vmem>>, vector<16xf32>,
      %swap3A_247 = vector.shape_cast %swap3A_246 : vector<16xf32> to vector<16xf32>
      %swap3A_248 = vector.shape_cast %broadcast_in_dim3A_8 : vector<16xf32> to vector<16xf32>
      tpu.vector_store %arg6[%swap3A_245], %swap3A_248 {strides = array<i32>} : memref<16384xf32, #tpu.memory_space<vmem>>, vector<16xf32>,
      %mul3A_249 = arith.constant 4 : i32
      %mul3A_250 = arith.muli %scan3A_219, %mul3A_249 : i32
      %add3A_251 = arith.constant 3 : i32
      %add3A_252 = arith.addi %mul3A_250, %add3A_251 : i32
      %mul3A_253 = arith.constant 16 : i32
      %mul3A_254 = arith.muli %add3A_252, %mul3A_253 : i32
      %swap3A_255 = arith.index_cast %mul3A_254 : i32 to index
      %swap3A_256 = tpu.vector_load %arg6[%swap3A_255] {strides = array<i32>} : memref<16384xf32, #tpu.memory_space<vmem>>, vector<16xf32>,
      %swap3A_257 = vector.shape_cast %swap3A_256 : vector<16xf32> to vector<16xf32>
      %swap3A_258 = vector.shape_cast %broadcast_in_dim3A_8 : vector<16xf32> to vector<16xf32>
      tpu.vector_store %arg6[%swap3A_255], %swap3A_258 {strides = array<i32>} : memref<16384xf32, #tpu.memory_space<vmem>>, vector<16xf32>,
    }
    %scan3A_13 = arith.constant 256 : i32
    %mul3A_14 = arith.constant 524288 : i32
    %mul3A_15 = arith.muli %add3A, %mul3A_14 : i32
    %add3A_16 = arith.constant 0 : i32
    %add3A_17 = arith.addi %mul3A_15, %add3A_16 : i32
    %dma_start3A_18 = tpu.memref_slice %arg5[%add3A_17] : memref<16777216xf32, #tpu.memory_space<hbm>> -> memref<16384xf32, #tpu.memory_space<hbm>>
    %dma_start3A_19 = tpu.memref_slice %arg5[%add3A_17] : memref<16777216xf32, #tpu.memory_space<hbm>> -> memref<16384xf32, #tpu.memory_space<hbm>>
    tpu.enqueue_dma source(%arg6 : memref<16384xf32, #tpu.memory_space<vmem>>) target(%dma_start3A_19 : memref<16384xf32, #tpu.memory_space<hbm>>) target_semaphore(%arg10 : memref<!tpu.dma_semaphore, #tpu.memory_space<semaphore_mem>>)
    %add3A_20 = arith.constant 16384 : i32
    %add3A_21 = arith.addi %mul3A_15, %add3A_20 : i32
    %dma_start3A_22 = tpu.memref_slice %arg5[%add3A_21] : memref<16777216xf32, #tpu.memory_space<hbm>> -> memref<16384xf32, #tpu.memory_space<hbm>>
    %dma_start3A_23 = tpu.memref_slice %arg5[%add3A_21] : memref<16777216xf32, #tpu.memory_space<hbm>> -> memref<16384xf32, #tpu.memory_space<hbm>>
    tpu.enqueue_dma source(%arg6 : memref<16384xf32, #tpu.memory_space<vmem>>) target(%dma_start3A_23 : memref<16384xf32, #tpu.memory_space<hbm>>) target_semaphore(%arg10 : memref<!tpu.dma_semaphore, #tpu.memory_space<semaphore_mem>>)
    %add3A_24 = arith.constant 32768 : i32
    %add3A_25 = arith.addi %mul3A_15, %add3A_24 : i32
    %dma_start3A_26 = tpu.memref_slice %arg5[%add3A_25] : memref<16777216xf32, #tpu.memory_space<hbm>> -> memref<16384xf32, #tpu.memory_space<hbm>>
    %dma_start3A_27 = tpu.memref_slice %arg5[%add3A_25] : memref<16777216xf32, #tpu.memory_space<hbm>> -> memref<16384xf32, #tpu.memory_space<hbm>>
    tpu.enqueue_dma source(%arg6 : memref<16384xf32, #tpu.memory_space<vmem>>) target(%dma_start3A_27 : memref<16384xf32, #tpu.memory_space<hbm>>) target_semaphore(%arg10 : memref<!tpu.dma_semaphore, #tpu.memory_space<semaphore_mem>>)
    %add3A_28 = arith.constant 49152 : i32
    %add3A_29 = arith.addi %mul3A_15, %add3A_28 : i32
    %dma_start3A_30 = tpu.memref_slice %arg5[%add3A_29] : memref<16777216xf32, #tpu.memory_space<hbm>> -> memref<16384xf32, #tpu.memory_space<hbm>>
    %dma_start3A_31 = tpu.memref_slice %arg5[%add3A_29] : memref<16777216xf32, #tpu.memory_space<hbm>> -> memref<16384xf32, #tpu.memory_space<hbm>>
    tpu.enqueue_dma source(%arg6 : memref<16384xf32, #tpu.memory_space<vmem>>) target(%dma_start3A_31 : memref<16384xf32, #tpu.memory_space<hbm>>) target_semaphore(%arg10 : memref<!tpu.dma_semaphore, #tpu.memory_space<semaphore_mem>>)
    %add3A_32 = arith.constant 65536 : i32
    %add3A_33 = arith.addi %mul3A_15, %add3A_32 : i32
    %dma_start3A_34 = tpu.memref_slice %arg5[%add3A_33] : memref<16777216xf32, #tpu.memory_space<hbm>> -> memref<16384xf32, #tpu.memory_space<hbm>>
    %dma_start3A_35 = tpu.memref_slice %arg5[%add3A_33] : memref<16777216xf32, #tpu.memory_space<hbm>> -> memref<16384xf32, #tpu.memory_space<hbm>>
    tpu.enqueue_dma source(%arg6 : memref<16384xf32, #tpu.memory_space<vmem>>) target(%dma_start3A_35 : memref<16384xf32, #tpu.memory_space<hbm>>) target_semaphore(%arg10 : memref<!tpu.dma_semaphore, #tpu.memory_space<semaphore_mem>>)
    %add3A_36 = arith.constant 81920 : i32
    %add3A_37 = arith.addi %mul3A_15, %add3A_36 : i32
    %dma_start3A_38 = tpu.memref_slice %arg5[%add3A_37] : memref<16777216xf32, #tpu.memory_space<hbm>> -> memref<16384xf32, #tpu.memory_space<hbm>>
    %dma_start3A_39 = tpu.memref_slice %arg5[%add3A_37] : memref<16777216xf32, #tpu.memory_space<hbm>> -> memref<16384xf32, #tpu.memory_space<hbm>>
    tpu.enqueue_dma source(%arg6 : memref<16384xf32, #tpu.memory_space<vmem>>) target(%dma_start3A_39 : memref<16384xf32, #tpu.memory_space<hbm>>) target_semaphore(%arg10 : memref<!tpu.dma_semaphore, #tpu.memory_space<semaphore_mem>>)
    %add3A_40 = arith.constant 98304 : i32
    %add3A_41 = arith.addi %mul3A_15, %add3A_40 : i32
    %dma_start3A_42 = tpu.memref_slice %arg5[%add3A_41] : memref<16777216xf32, #tpu.memory_space<hbm>> -> memref<16384xf32, #tpu.memory_space<hbm>>
    %dma_start3A_43 = tpu.memref_slice %arg5[%add3A_41] : memref<16777216xf32, #tpu.memory_space<hbm>> -> memref<16384xf32, #tpu.memory_space<hbm>>
    tpu.enqueue_dma source(%arg6 : memref<16384xf32, #tpu.memory_space<vmem>>) target(%dma_start3A_43 : memref<16384xf32, #tpu.memory_space<hbm>>) target_semaphore(%arg10 : memref<!tpu.dma_semaphore, #tpu.memory_space<semaphore_mem>>)
    %add3A_44 = arith.constant 114688 : i32
    %add3A_45 = arith.addi %mul3A_15, %add3A_44 : i32
    %dma_start3A_46 = tpu.memref_slice %arg5[%add3A_45] : memref<16777216xf32, #tpu.memory_space<hbm>> -> memref<16384xf32, #tpu.memory_space<hbm>>
    %dma_start3A_47 = tpu.memref_slice %arg5[%add3A_45] : memref<16777216xf32, #tpu.memory_space<hbm>> -> memref<16384xf32, #tpu.memory_space<hbm>>
    tpu.enqueue_dma source(%arg6 : memref<16384xf32, #tpu.memory_space<vmem>>) target(%dma_start3A_47 : memref<16384xf32, #tpu.memory_space<hbm>>) target_semaphore(%arg10 : memref<!tpu.dma_semaphore, #tpu.memory_space<semaphore_mem>>)
    %add3A_48 = arith.constant 131072 : i32
    %add3A_49 = arith.addi %mul3A_15, %add3A_48 : i32
    %dma_start3A_50 = tpu.memref_slice %arg5[%add3A_49] : memref<16777216xf32, #tpu.memory_space<hbm>> -> memref<16384xf32, #tpu.memory_space<hbm>>
    %dma_start3A_51 = tpu.memref_slice %arg5[%add3A_49] : memref<16777216xf32, #tpu.memory_space<hbm>> -> memref<16384xf32, #tpu.memory_space<hbm>>
    tpu.enqueue_dma source(%arg6 : memref<16384xf32, #tpu.memory_space<vmem>>) target(%dma_start3A_51 : memref<16384xf32, #tpu.memory_space<hbm>>) target_semaphore(%arg10 : memref<!tpu.dma_semaphore, #tpu.memory_space<semaphore_mem>>)
    %add3A_52 = arith.constant 147456 : i32
    %add3A_53 = arith.addi %mul3A_15, %add3A_52 : i32
    %dma_start3A_54 = tpu.memref_slice %arg5[%add3A_53] : memref<16777216xf32, #tpu.memory_space<hbm>> -> memref<16384xf32, #tpu.memory_space<hbm>>
    %dma_start3A_55 = tpu.memref_slice %arg5[%add3A_53] : memref<16777216xf32, #tpu.memory_space<hbm>> -> memref<16384xf32, #tpu.memory_space<hbm>>
    tpu.enqueue_dma source(%arg6 : memref<16384xf32, #tpu.memory_space<vmem>>) target(%dma_start3A_55 : memref<16384xf32, #tpu.memory_space<hbm>>) target_semaphore(%arg10 : memref<!tpu.dma_semaphore, #tpu.memory_space<semaphore_mem>>)
    %add3A_56 = arith.constant 163840 : i32
    %add3A_57 = arith.addi %mul3A_15, %add3A_56 : i32
    %dma_start3A_58 = tpu.memref_slice %arg5[%add3A_57] : memref<16777216xf32, #tpu.memory_space<hbm>> -> memref<16384xf32, #tpu.memory_space<hbm>>
    %dma_start3A_59 = tpu.memref_slice %arg5[%add3A_57] : memref<16777216xf32, #tpu.memory_space<hbm>> -> memref<16384xf32, #tpu.memory_space<hbm>>
    tpu.enqueue_dma source(%arg6 : memref<16384xf32, #tpu.memory_space<vmem>>) target(%dma_start3A_59 : memref<16384xf32, #tpu.memory_space<hbm>>) target_semaphore(%arg10 : memref<!tpu.dma_semaphore, #tpu.memory_space<semaphore_mem>>)
    %add3A_60 = arith.constant 180224 : i32
    %add3A_61 = arith.addi %mul3A_15, %add3A_60 : i32
    %dma_start3A_62 = tpu.memref_slice %arg5[%add3A_61] : memref<16777216xf32, #tpu.memory_space<hbm>> -> memref<16384xf32, #tpu.memory_space<hbm>>
    %dma_start3A_63 = tpu.memref_slice %arg5[%add3A_61] : memref<16777216xf32, #tpu.memory_space<hbm>> -> memref<16384xf32, #tpu.memory_space<hbm>>
    tpu.enqueue_dma source(%arg6 : memref<16384xf32, #tpu.memory_space<vmem>>) target(%dma_start3A_63 : memref<16384xf32, #tpu.memory_space<hbm>>) target_semaphore(%arg10 : memref<!tpu.dma_semaphore, #tpu.memory_space<semaphore_mem>>)
    %add3A_64 = arith.constant 196608 : i32
    %add3A_65 = arith.addi %mul3A_15, %add3A_64 : i32
    %dma_start3A_66 = tpu.memref_slice %arg5[%add3A_65] : memref<16777216xf32, #tpu.memory_space<hbm>> -> memref<16384xf32, #tpu.memory_space<hbm>>
    %dma_start3A_67 = tpu.memref_slice %arg5[%add3A_65] : memref<16777216xf32, #tpu.memory_space<hbm>> -> memref<16384xf32, #tpu.memory_space<hbm>>
    tpu.enqueue_dma source(%arg6 : memref<16384xf32, #tpu.memory_space<vmem>>) target(%dma_start3A_67 : memref<16384xf32, #tpu.memory_space<hbm>>) target_semaphore(%arg10 : memref<!tpu.dma_semaphore, #tpu.memory_space<semaphore_mem>>)
    %add3A_68 = arith.constant 212992 : i32
    %add3A_69 = arith.addi %mul3A_15, %add3A_68 : i32
    %dma_start3A_70 = tpu.memref_slice %arg5[%add3A_69] : memref<16777216xf32, #tpu.memory_space<hbm>> -> memref<16384xf32, #tpu.memory_space<hbm>>
    %dma_start3A_71 = tpu.memref_slice %arg5[%add3A_69] : memref<16777216xf32, #tpu.memory_space<hbm>> -> memref<16384xf32, #tpu.memory_space<hbm>>
    tpu.enqueue_dma source(%arg6 : memref<16384xf32, #tpu.memory_space<vmem>>) target(%dma_start3A_71 : memref<16384xf32, #tpu.memory_space<hbm>>) target_semaphore(%arg10 : memref<!tpu.dma_semaphore, #tpu.memory_space<semaphore_mem>>)
    %add3A_72 = arith.constant 229376 : i32
    %add3A_73 = arith.addi %mul3A_15, %add3A_72 : i32
    %dma_start3A_74 = tpu.memref_slice %arg5[%add3A_73] : memref<16777216xf32, #tpu.memory_space<hbm>> -> memref<16384xf32, #tpu.memory_space<hbm>>
    %dma_start3A_75 = tpu.memref_slice %arg5[%add3A_73] : memref<16777216xf32, #tpu.memory_space<hbm>> -> memref<16384xf32, #tpu.memory_space<hbm>>
    tpu.enqueue_dma source(%arg6 : memref<16384xf32, #tpu.memory_space<vmem>>) target(%dma_start3A_75 : memref<16384xf32, #tpu.memory_space<hbm>>) target_semaphore(%arg10 : memref<!tpu.dma_semaphore, #tpu.memory_space<semaphore_mem>>)
    %add3A_76 = arith.constant 245760 : i32
    %add3A_77 = arith.addi %mul3A_15, %add3A_76 : i32
    %dma_start3A_78 = tpu.memref_slice %arg5[%add3A_77] : memref<16777216xf32, #tpu.memory_space<hbm>> -> memref<16384xf32, #tpu.memory_space<hbm>>
    %dma_start3A_79 = tpu.memref_slice %arg5[%add3A_77] : memref<16777216xf32, #tpu.memory_space<hbm>> -> memref<16384xf32, #tpu.memory_space<hbm>>
    tpu.enqueue_dma source(%arg6 : memref<16384xf32, #tpu.memory_space<vmem>>) target(%dma_start3A_79 : memref<16384xf32, #tpu.memory_space<hbm>>) target_semaphore(%arg10 : memref<!tpu.dma_semaphore, #tpu.memory_space<semaphore_mem>>)
    %add3A_80 = arith.constant 262144 : i32
    %add3A_81 = arith.addi %mul3A_15, %add3A_80 : i32
    %dma_start3A_82 = tpu.memref_slice %arg5[%add3A_81] : memref<16777216xf32, #tpu.memory_space<hbm>> -> memref<16384xf32, #tpu.memory_space<hbm>>
    %dma_start3A_83 = tpu.memref_slice %arg5[%add3A_81] : memref<16777216xf32, #tpu.memory_space<hbm>> -> memref<16384xf32, #tpu.memory_space<hbm>>
    tpu.enqueue_dma source(%arg6 : memref<16384xf32, #tpu.memory_space<vmem>>) target(%dma_start3A_83 : memref<16384xf32, #tpu.memory_space<hbm>>) target_semaphore(%arg10 : memref<!tpu.dma_semaphore, #tpu.memory_space<semaphore_mem>>)
    %add3A_84 = arith.constant 278528 : i32
    %add3A_85 = arith.addi %mul3A_15, %add3A_84 : i32
    %dma_start3A_86 = tpu.memref_slice %arg5[%add3A_85] : memref<16777216xf32, #tpu.memory_space<hbm>> -> memref<16384xf32, #tpu.memory_space<hbm>>
    %dma_start3A_87 = tpu.memref_slice %arg5[%add3A_85] : memref<16777216xf32, #tpu.memory_space<hbm>> -> memref<16384xf32, #tpu.memory_space<hbm>>
    tpu.enqueue_dma source(%arg6 : memref<16384xf32, #tpu.memory_space<vmem>>) target(%dma_start3A_87 : memref<16384xf32, #tpu.memory_space<hbm>>) target_semaphore(%arg10 : memref<!tpu.dma_semaphore, #tpu.memory_space<semaphore_mem>>)
    %add3A_88 = arith.constant 294912 : i32
    %add3A_89 = arith.addi %mul3A_15, %add3A_88 : i32
    %dma_start3A_90 = tpu.memref_slice %arg5[%add3A_89] : memref<16777216xf32, #tpu.memory_space<hbm>> -> memref<16384xf32, #tpu.memory_space<hbm>>
    %dma_start3A_91 = tpu.memref_slice %arg5[%add3A_89] : memref<16777216xf32, #tpu.memory_space<hbm>> -> memref<16384xf32, #tpu.memory_space<hbm>>
    tpu.enqueue_dma source(%arg6 : memref<16384xf32, #tpu.memory_space<vmem>>) target(%dma_start3A_91 : memref<16384xf32, #tpu.memory_space<hbm>>) target_semaphore(%arg10 : memref<!tpu.dma_semaphore, #tpu.memory_space<semaphore_mem>>)
    %add3A_92 = arith.constant 311296 : i32
    %add3A_93 = arith.addi %mul3A_15, %add3A_92 : i32
    %dma_start3A_94 = tpu.memref_slice %arg5[%add3A_93] : memref<16777216xf32, #tpu.memory_space<hbm>> -> memref<16384xf32, #tpu.memory_space<hbm>>
    %dma_start3A_95 = tpu.memref_slice %arg5[%add3A_93] : memref<16777216xf32, #tpu.memory_space<hbm>> -> memref<16384xf32, #tpu.memory_space<hbm>>
    tpu.enqueue_dma source(%arg6 : memref<16384xf32, #tpu.memory_space<vmem>>) target(%dma_start3A_95 : memref<16384xf32, #tpu.memory_space<hbm>>) target_semaphore(%arg10 : memref<!tpu.dma_semaphore, #tpu.memory_space<semaphore_mem>>)
    %add3A_96 = arith.constant 327680 : i32
    %add3A_97 = arith.addi %mul3A_15, %add3A_96 : i32
    %dma_start3A_98 = tpu.memref_slice %arg5[%add3A_97] : memref<16777216xf32, #tpu.memory_space<hbm>> -> memref<16384xf32, #tpu.memory_space<hbm>>
    %dma_start3A_99 = tpu.memref_slice %arg5[%add3A_97] : memref<16777216xf32, #tpu.memory_space<hbm>> -> memref<16384xf32, #tpu.memory_space<hbm>>
    tpu.enqueue_dma source(%arg6 : memref<16384xf32, #tpu.memory_space<vmem>>) target(%dma_start3A_99 : memref<16384xf32, #tpu.memory_space<hbm>>) target_semaphore(%arg10 : memref<!tpu.dma_semaphore, #tpu.memory_space<semaphore_mem>>)
    %add3A_100 = arith.constant 344064 : i32
    %add3A_101 = arith.addi %mul3A_15, %add3A_100 : i32
    %dma_start3A_102 = tpu.memref_slice %arg5[%add3A_101] : memref<16777216xf32, #tpu.memory_space<hbm>> -> memref<16384xf32, #tpu.memory_space<hbm>>
    %dma_start3A_103 = tpu.memref_slice %arg5[%add3A_101] : memref<16777216xf32, #tpu.memory_space<hbm>> -> memref<16384xf32, #tpu.memory_space<hbm>>
    tpu.enqueue_dma source(%arg6 : memref<16384xf32, #tpu.memory_space<vmem>>) target(%dma_start3A_103 : memref<16384xf32, #tpu.memory_space<hbm>>) target_semaphore(%arg10 : memref<!tpu.dma_semaphore, #tpu.memory_space<semaphore_mem>>)
    %add3A_104 = arith.constant 360448 : i32
    %add3A_105 = arith.addi %mul3A_15, %add3A_104 : i32
    %dma_start3A_106 = tpu.memref_slice %arg5[%add3A_105] : memref<16777216xf32, #tpu.memory_space<hbm>> -> memref<16384xf32, #tpu.memory_space<hbm>>
    %dma_start3A_107 = tpu.memref_slice %arg5[%add3A_105] : memref<16777216xf32, #tpu.memory_space<hbm>> -> memref<16384xf32, #tpu.memory_space<hbm>>
    tpu.enqueue_dma source(%arg6 : memref<16384xf32, #tpu.memory_space<vmem>>) target(%dma_start3A_107 : memref<16384xf32, #tpu.memory_space<hbm>>) target_semaphore(%arg10 : memref<!tpu.dma_semaphore, #tpu.memory_space<semaphore_mem>>)
    %add3A_108 = arith.constant 376832 : i32
    %add3A_109 = arith.addi %mul3A_15, %add3A_108 : i32
    %dma_start3A_110 = tpu.memref_slice %arg5[%add3A_109] : memref<16777216xf32, #tpu.memory_space<hbm>> -> memref<16384xf32, #tpu.memory_space<hbm>>
    %dma_start3A_111 = tpu.memref_slice %arg5[%add3A_109] : memref<16777216xf32, #tpu.memory_space<hbm>> -> memref<16384xf32, #tpu.memory_space<hbm>>
    tpu.enqueue_dma source(%arg6 : memref<16384xf32, #tpu.memory_space<vmem>>) target(%dma_start3A_111 : memref<16384xf32, #tpu.memory_space<hbm>>) target_semaphore(%arg10 : memref<!tpu.dma_semaphore, #tpu.memory_space<semaphore_mem>>)
    %add3A_112 = arith.constant 393216 : i32
    %add3A_113 = arith.addi %mul3A_15, %add3A_112 : i32
    %dma_start3A_114 = tpu.memref_slice %arg5[%add3A_113] : memref<16777216xf32, #tpu.memory_space<hbm>> -> memref<16384xf32, #tpu.memory_space<hbm>>
    %dma_start3A_115 = tpu.memref_slice %arg5[%add3A_113] : memref<16777216xf32, #tpu.memory_space<hbm>> -> memref<16384xf32, #tpu.memory_space<hbm>>
    tpu.enqueue_dma source(%arg6 : memref<16384xf32, #tpu.memory_space<vmem>>) target(%dma_start3A_115 : memref<16384xf32, #tpu.memory_space<hbm>>) target_semaphore(%arg10 : memref<!tpu.dma_semaphore, #tpu.memory_space<semaphore_mem>>)
    %add3A_116 = arith.constant 409600 : i32
    %add3A_117 = arith.addi %mul3A_15, %add3A_116 : i32
    %dma_start3A_118 = tpu.memref_slice %arg5[%add3A_117] : memref<16777216xf32, #tpu.memory_space<hbm>> -> memref<16384xf32, #tpu.memory_space<hbm>>
    %dma_start3A_119 = tpu.memref_slice %arg5[%add3A_117] : memref<16777216xf32, #tpu.memory_space<hbm>> -> memref<16384xf32, #tpu.memory_space<hbm>>
    tpu.enqueue_dma source(%arg6 : memref<16384xf32, #tpu.memory_space<vmem>>) target(%dma_start3A_119 : memref<16384xf32, #tpu.memory_space<hbm>>) target_semaphore(%arg10 : memref<!tpu.dma_semaphore, #tpu.memory_space<semaphore_mem>>)
    %add3A_120 = arith.constant 425984 : i32
    %add3A_121 = arith.addi %mul3A_15, %add3A_120 : i32
    %dma_start3A_122 = tpu.memref_slice %arg5[%add3A_121] : memref<16777216xf32, #tpu.memory_space<hbm>> -> memref<16384xf32, #tpu.memory_space<hbm>>
    %dma_start3A_123 = tpu.memref_slice %arg5[%add3A_121] : memref<16777216xf32, #tpu.memory_space<hbm>> -> memref<16384xf32, #tpu.memory_space<hbm>>
    tpu.enqueue_dma source(%arg6 : memref<16384xf32, #tpu.memory_space<vmem>>) target(%dma_start3A_123 : memref<16384xf32, #tpu.memory_space<hbm>>) target_semaphore(%arg10 : memref<!tpu.dma_semaphore, #tpu.memory_space<semaphore_mem>>)
    %add3A_124 = arith.constant 442368 : i32
    %add3A_125 = arith.addi %mul3A_15, %add3A_124 : i32
    %dma_start3A_126 = tpu.memref_slice %arg5[%add3A_125] : memref<16777216xf32, #tpu.memory_space<hbm>> -> memref<16384xf32, #tpu.memory_space<hbm>>
    %dma_start3A_127 = tpu.memref_slice %arg5[%add3A_125] : memref<16777216xf32, #tpu.memory_space<hbm>> -> memref<16384xf32, #tpu.memory_space<hbm>>
    tpu.enqueue_dma source(%arg6 : memref<16384xf32, #tpu.memory_space<vmem>>) target(%dma_start3A_127 : memref<16384xf32, #tpu.memory_space<hbm>>) target_semaphore(%arg10 : memref<!tpu.dma_semaphore, #tpu.memory_space<semaphore_mem>>)
    %add3A_128 = arith.constant 458752 : i32
    %add3A_129 = arith.addi %mul3A_15, %add3A_128 : i32
    %dma_start3A_130 = tpu.memref_slice %arg5[%add3A_129] : memref<16777216xf32, #tpu.memory_space<hbm>> -> memref<16384xf32, #tpu.memory_space<hbm>>
    %dma_start3A_131 = tpu.memref_slice %arg5[%add3A_129] : memref<16777216xf32, #tpu.memory_space<hbm>> -> memref<16384xf32, #tpu.memory_space<hbm>>
    tpu.enqueue_dma source(%arg6 : memref<16384xf32, #tpu.memory_space<vmem>>) target(%dma_start3A_131 : memref<16384xf32, #tpu.memory_space<hbm>>) target_semaphore(%arg10 : memref<!tpu.dma_semaphore, #tpu.memory_space<semaphore_mem>>)
    %add3A_132 = arith.constant 475136 : i32
    %add3A_133 = arith.addi %mul3A_15, %add3A_132 : i32
    %dma_start3A_134 = tpu.memref_slice %arg5[%add3A_133] : memref<16777216xf32, #tpu.memory_space<hbm>> -> memref<16384xf32, #tpu.memory_space<hbm>>
    %dma_start3A_135 = tpu.memref_slice %arg5[%add3A_133] : memref<16777216xf32, #tpu.memory_space<hbm>> -> memref<16384xf32, #tpu.memory_space<hbm>>
    tpu.enqueue_dma source(%arg6 : memref<16384xf32, #tpu.memory_space<vmem>>) target(%dma_start3A_135 : memref<16384xf32, #tpu.memory_space<hbm>>) target_semaphore(%arg10 : memref<!tpu.dma_semaphore, #tpu.memory_space<semaphore_mem>>)
    %add3A_136 = arith.constant 491520 : i32
    %add3A_137 = arith.addi %mul3A_15, %add3A_136 : i32
    %dma_start3A_138 = tpu.memref_slice %arg5[%add3A_137] : memref<16777216xf32, #tpu.memory_space<hbm>> -> memref<16384xf32, #tpu.memory_space<hbm>>
    %dma_start3A_139 = tpu.memref_slice %arg5[%add3A_137] : memref<16777216xf32, #tpu.memory_space<hbm>> -> memref<16384xf32, #tpu.memory_space<hbm>>
    tpu.enqueue_dma source(%arg6 : memref<16384xf32, #tpu.memory_space<vmem>>) target(%dma_start3A_139 : memref<16384xf32, #tpu.memory_space<hbm>>) target_semaphore(%arg10 : memref<!tpu.dma_semaphore, #tpu.memory_space<semaphore_mem>>)
    %add3A_140 = arith.constant 507904 : i32
    %add3A_141 = arith.addi %mul3A_15, %add3A_140 : i32
    %dma_start3A_142 = tpu.memref_slice %arg5[%add3A_141] : memref<16777216xf32, #tpu.memory_space<hbm>> -> memref<16384xf32, #tpu.memory_space<hbm>>
    %dma_start3A_143 = tpu.memref_slice %arg5[%add3A_141] : memref<16777216xf32, #tpu.memory_space<hbm>> -> memref<16384xf32, #tpu.memory_space<hbm>>
    tpu.enqueue_dma source(%arg6 : memref<16384xf32, #tpu.memory_space<vmem>>) target(%dma_start3A_143 : memref<16384xf32, #tpu.memory_space<hbm>>) target_semaphore(%arg10 : memref<!tpu.dma_semaphore, #tpu.memory_space<semaphore_mem>>)
    %dma_wait3A = tpu.memref_slice %arg3[%mul3A_2] : memref<167936xi32, #tpu.memory_space<hbm>> -> memref<5248xi32, #tpu.memory_space<hbm>>
    %dma_wait3A_144 = tpu.memref_slice %arg3[%mul3A_2] : memref<167936xi32, #tpu.memory_space<hbm>> -> memref<5248xi32, #tpu.memory_space<hbm>>
    tpu.wait_dma2 semaphore(%arg11 : memref<!tpu.dma_semaphore, #tpu.memory_space<semaphore_mem>>) src(%dma_wait3A_144 : memref<5248xi32, #tpu.memory_space<hbm>>) dst(%arg7 : memref<5248xi32, #tpu.memory_space<vmem>>)
    %dma_wait3A_145 = tpu.memref_slice %arg4[%mul3A_2] : memref<167936xi32, #tpu.memory_space<hbm>> -> memref<5248xi32, #tpu.memory_space<hbm>>
    %dma_wait3A_146 = tpu.memref_slice %arg4[%mul3A_2] : memref<167936xi32, #tpu.memory_space<hbm>> -> memref<5248xi32, #tpu.memory_space<hbm>>
    tpu.wait_dma2 semaphore(%arg11 : memref<!tpu.dma_semaphore, #tpu.memory_space<semaphore_mem>>) src(%dma_wait3A_146 : memref<5248xi32, #tpu.memory_space<hbm>>) dst(%arg8 : memref<5248xi32, #tpu.memory_space<vmem>>)
    %dma_wait3A_147 = tpu.memref_slice %arg2[%mul3A_2] : memref<167936xf32, #tpu.memory_space<hbm>> -> memref<5248xf32, #tpu.memory_space<hbm>>
    %dma_wait3A_148 = tpu.memref_slice %arg2[%mul3A_2] : memref<167936xf32, #tpu.memory_space<hbm>> -> memref<5248xf32, #tpu.memory_space<hbm>>
    tpu.wait_dma2 semaphore(%arg11 : memref<!tpu.dma_semaphore, #tpu.memory_space<semaphore_mem>>) src(%dma_wait3A_148 : memref<5248xf32, #tpu.memory_space<hbm>>) dst(%arg9 : memref<5248xf32, #tpu.memory_space<vmem>>)
    %scan3A_149 = arith.constant 0 : i32
    %scan3A_150 = arith.constant 0 : i32
    %scan3A_151 = arith.constant 328 : i32
    %scan3A_152 = arith.addi %scan3A_150, %scan3A_151 : i32
    %scan3A_153 = arith.constant 1 : i32
    scf.for %scan3A_219 = %scan3A_150 to %scan3A_152 step %scan3A_153  : i32 {
      %mul3A_220 = arith.constant 16 : i32
      %mul3A_221 = arith.muli %scan3A_219, %mul3A_220 : i32
      %get3A = arith.index_cast %mul3A_221 : i32 to index
      %get3A_222 = tpu.vector_load %arg7[%get3A] {strides = array<i32>} : memref<5248xi32, #tpu.memory_space<vmem>>, vector<16xi32>,
      %get3A_223 = vector.shape_cast %get3A_222 : vector<16xi32> to vector<16xi32>
      %get3A_224 = arith.index_cast %mul3A_221 : i32 to index
      %get3A_225 = tpu.vector_load %arg8[%get3A_224] {strides = array<i32>} : memref<5248xi32, #tpu.memory_space<vmem>>, vector<16xi32>,
      %get3A_226 = vector.shape_cast %get3A_225 : vector<16xi32> to vector<16xi32>
      %get3A_227 = arith.index_cast %mul3A_221 : i32 to index
      %get3A_228 = tpu.vector_load %arg9[%get3A_227] {strides = array<i32>} : memref<5248xf32, #tpu.memory_space<vmem>>, vector<16xf32>,
      %get3A_229 = vector.shape_cast %get3A_228 : vector<16xf32> to vector<16xf32>
      %mul3A_230 = arith.constant 4096 : i32
      %mul3A_231 = vector.broadcast %mul3A_230 : i32 to vector<16xi32>
      %mul3A_232 = arith.muli %get3A_223, %mul3A_231 : vector<16xi32>
      %add3A_233 = arith.addi %mul3A_232, %get3A_226 : vector<16xi32>
      %swap3A = arith.index_cast %mul3A_221 : i32 to index
      %swap3A_234 = tpu.vector_load %arg7[%swap3A] {strides = array<i32>} : memref<5248xi32, #tpu.memory_space<vmem>>, vector<16xi32>,
      %swap3A_235 = vector.shape_cast %swap3A_234 : vector<16xi32> to vector<16xi32>
      %swap3A_236 = vector.shape_cast %add3A_233 : vector<16xi32> to vector<16xi32>
      tpu.vector_store %arg7[%swap3A], %swap3A_236 {strides = array<i32>} : memref<5248xi32, #tpu.memory_space<vmem>>, vector<16xi32>,
      %sub3A = arith.subf %get3A_229, %get3A_229 : vector<16xf32>
      %swap3A_237 = arith.index_cast %mul3A_221 : i32 to index
      %swap3A_238 = tpu.vector_load %arg9[%swap3A_237] {strides = array<i32>} : memref<5248xf32, #tpu.memory_space<vmem>>, vector<16xf32>,
      %swap3A_239 = vector.shape_cast %swap3A_238 : vector<16xf32> to vector<16xf32>
      %swap3A_240 = vector.shape_cast %sub3A : vector<16xf32> to vector<16xf32>
      tpu.vector_store %arg9[%swap3A_237], %swap3A_240 {strides = array<i32>} : memref<5248xf32, #tpu.memory_space<vmem>>, vector<16xf32>,
    }
    %scan3A_154 = arith.constant 328 : i32
    %dma_wait3A_155 = tpu.memref_slice %arg5[%add3A_17] : memref<16777216xf32, #tpu.memory_space<hbm>> -> memref<16384xf32, #tpu.memory_space<hbm>>
    %dma_wait3A_156 = tpu.memref_slice %arg5[%add3A_17] : memref<16777216xf32, #tpu.memory_space<hbm>> -> memref<16384xf32, #tpu.memory_space<hbm>>
    tpu.wait_dma2 semaphore(%arg10 : memref<!tpu.dma_semaphore, #tpu.memory_space<semaphore_mem>>) src(%arg6 : memref<16384xf32, #tpu.memory_space<vmem>>) dst(%dma_wait3A_156 : memref<16384xf32, #tpu.memory_space<hbm>>)
    %dma_wait3A_157 = tpu.memref_slice %arg5[%add3A_21] : memref<16777216xf32, #tpu.memory_space<hbm>> -> memref<16384xf32, #tpu.memory_space<hbm>>
    %dma_wait3A_158 = tpu.memref_slice %arg5[%add3A_21] : memref<16777216xf32, #tpu.memory_space<hbm>> -> memref<16384xf32, #tpu.memory_space<hbm>>
    tpu.wait_dma2 semaphore(%arg10 : memref<!tpu.dma_semaphore, #tpu.memory_space<semaphore_mem>>) src(%arg6 : memref<16384xf32, #tpu.memory_space<vmem>>) dst(%dma_wait3A_158 : memref<16384xf32, #tpu.memory_space<hbm>>)
    %dma_wait3A_159 = tpu.memref_slice %arg5[%add3A_25] : memref<16777216xf32, #tpu.memory_space<hbm>> -> memref<16384xf32, #tpu.memory_space<hbm>>
    %dma_wait3A_160 = tpu.memref_slice %arg5[%add3A_25] : memref<16777216xf32, #tpu.memory_space<hbm>> -> memref<16384xf32, #tpu.memory_space<hbm>>
    tpu.wait_dma2 semaphore(%arg10 : memref<!tpu.dma_semaphore, #tpu.memory_space<semaphore_mem>>) src(%arg6 : memref<16384xf32, #tpu.memory_space<vmem>>) dst(%dma_wait3A_160 : memref<16384xf32, #tpu.memory_space<hbm>>)
    %dma_wait3A_161 = tpu.memref_slice %arg5[%add3A_29] : memref<16777216xf32, #tpu.memory_space<hbm>> -> memref<16384xf32, #tpu.memory_space<hbm>>
    %dma_wait3A_162 = tpu.memref_slice %arg5[%add3A_29] : memref<16777216xf32, #tpu.memory_space<hbm>> -> memref<16384xf32, #tpu.memory_space<hbm>>
    tpu.wait_dma2 semaphore(%arg10 : memref<!tpu.dma_semaphore, #tpu.memory_space<semaphore_mem>>) src(%arg6 : memref<16384xf32, #tpu.memory_space<vmem>>) dst(%dma_wait3A_162 : memref<16384xf32, #tpu.memory_space<hbm>>)
    %dma_wait3A_163 = tpu.memref_slice %arg5[%add3A_33] : memref<16777216xf32, #tpu.memory_space<hbm>> -> memref<16384xf32, #tpu.memory_space<hbm>>
    %dma_wait3A_164 = tpu.memref_slice %arg5[%add3A_33] : memref<16777216xf32, #tpu.memory_space<hbm>> -> memref<16384xf32, #tpu.memory_space<hbm>>
    tpu.wait_dma2 semaphore(%arg10 : memref<!tpu.dma_semaphore, #tpu.memory_space<semaphore_mem>>) src(%arg6 : memref<16384xf32, #tpu.memory_space<vmem>>) dst(%dma_wait3A_164 : memref<16384xf32, #tpu.memory_space<hbm>>)
    %dma_wait3A_165 = tpu.memref_slice %arg5[%add3A_37] : memref<16777216xf32, #tpu.memory_space<hbm>> -> memref<16384xf32, #tpu.memory_space<hbm>>
    %dma_wait3A_166 = tpu.memref_slice %arg5[%add3A_37] : memref<16777216xf32, #tpu.memory_space<hbm>> -> memref<16384xf32, #tpu.memory_space<hbm>>
    tpu.wait_dma2 semaphore(%arg10 : memref<!tpu.dma_semaphore, #tpu.memory_space<semaphore_mem>>) src(%arg6 : memref<16384xf32, #tpu.memory_space<vmem>>) dst(%dma_wait3A_166 : memref<16384xf32, #tpu.memory_space<hbm>>)
    %dma_wait3A_167 = tpu.memref_slice %arg5[%add3A_41] : memref<16777216xf32, #tpu.memory_space<hbm>> -> memref<16384xf32, #tpu.memory_space<hbm>>
    %dma_wait3A_168 = tpu.memref_slice %arg5[%add3A_41] : memref<16777216xf32, #tpu.memory_space<hbm>> -> memref<16384xf32, #tpu.memory_space<hbm>>
    tpu.wait_dma2 semaphore(%arg10 : memref<!tpu.dma_semaphore, #tpu.memory_space<semaphore_mem>>) src(%arg6 : memref<16384xf32, #tpu.memory_space<vmem>>) dst(%dma_wait3A_168 : memref<16384xf32, #tpu.memory_space<hbm>>)
    %dma_wait3A_169 = tpu.memref_slice %arg5[%add3A_45] : memref<16777216xf32, #tpu.memory_space<hbm>> -> memref<16384xf32, #tpu.memory_space<hbm>>
    %dma_wait3A_170 = tpu.memref_slice %arg5[%add3A_45] : memref<16777216xf32, #tpu.memory_space<hbm>> -> memref<16384xf32, #tpu.memory_space<hbm>>
    tpu.wait_dma2 semaphore(%arg10 : memref<!tpu.dma_semaphore, #tpu.memory_space<semaphore_mem>>) src(%arg6 : memref<16384xf32, #tpu.memory_space<vmem>>) dst(%dma_wait3A_170 : memref<16384xf32, #tpu.memory_space<hbm>>)
    %dma_wait3A_171 = tpu.memref_slice %arg5[%add3A_49] : memref<16777216xf32, #tpu.memory_space<hbm>> -> memref<16384xf32, #tpu.memory_space<hbm>>
    %dma_wait3A_172 = tpu.memref_slice %arg5[%add3A_49] : memref<16777216xf32, #tpu.memory_space<hbm>> -> memref<16384xf32, #tpu.memory_space<hbm>>
    tpu.wait_dma2 semaphore(%arg10 : memref<!tpu.dma_semaphore, #tpu.memory_space<semaphore_mem>>) src(%arg6 : memref<16384xf32, #tpu.memory_space<vmem>>) dst(%dma_wait3A_172 : memref<16384xf32, #tpu.memory_space<hbm>>)
    %dma_wait3A_173 = tpu.memref_slice %arg5[%add3A_53] : memref<16777216xf32, #tpu.memory_space<hbm>> -> memref<16384xf32, #tpu.memory_space<hbm>>
    %dma_wait3A_174 = tpu.memref_slice %arg5[%add3A_53] : memref<16777216xf32, #tpu.memory_space<hbm>> -> memref<16384xf32, #tpu.memory_space<hbm>>
    tpu.wait_dma2 semaphore(%arg10 : memref<!tpu.dma_semaphore, #tpu.memory_space<semaphore_mem>>) src(%arg6 : memref<16384xf32, #tpu.memory_space<vmem>>) dst(%dma_wait3A_174 : memref<16384xf32, #tpu.memory_space<hbm>>)
    %dma_wait3A_175 = tpu.memref_slice %arg5[%add3A_57] : memref<16777216xf32, #tpu.memory_space<hbm>> -> memref<16384xf32, #tpu.memory_space<hbm>>
    %dma_wait3A_176 = tpu.memref_slice %arg5[%add3A_57] : memref<16777216xf32, #tpu.memory_space<hbm>> -> memref<16384xf32, #tpu.memory_space<hbm>>
    tpu.wait_dma2 semaphore(%arg10 : memref<!tpu.dma_semaphore, #tpu.memory_space<semaphore_mem>>) src(%arg6 : memref<16384xf32, #tpu.memory_space<vmem>>) dst(%dma_wait3A_176 : memref<16384xf32, #tpu.memory_space<hbm>>)
    %dma_wait3A_177 = tpu.memref_slice %arg5[%add3A_61] : memref<16777216xf32, #tpu.memory_space<hbm>> -> memref<16384xf32, #tpu.memory_space<hbm>>
    %dma_wait3A_178 = tpu.memref_slice %arg5[%add3A_61] : memref<16777216xf32, #tpu.memory_space<hbm>> -> memref<16384xf32, #tpu.memory_space<hbm>>
    tpu.wait_dma2 semaphore(%arg10 : memref<!tpu.dma_semaphore, #tpu.memory_space<semaphore_mem>>) src(%arg6 : memref<16384xf32, #tpu.memory_space<vmem>>) dst(%dma_wait3A_178 : memref<16384xf32, #tpu.memory_space<hbm>>)
    %dma_wait3A_179 = tpu.memref_slice %arg5[%add3A_65] : memref<16777216xf32, #tpu.memory_space<hbm>> -> memref<16384xf32, #tpu.memory_space<hbm>>
    %dma_wait3A_180 = tpu.memref_slice %arg5[%add3A_65] : memref<16777216xf32, #tpu.memory_space<hbm>> -> memref<16384xf32, #tpu.memory_space<hbm>>
    tpu.wait_dma2 semaphore(%arg10 : memref<!tpu.dma_semaphore, #tpu.memory_space<semaphore_mem>>) src(%arg6 : memref<16384xf32, #tpu.memory_space<vmem>>) dst(%dma_wait3A_180 : memref<16384xf32, #tpu.memory_space<hbm>>)
    %dma_wait3A_181 = tpu.memref_slice %arg5[%add3A_69] : memref<16777216xf32, #tpu.memory_space<hbm>> -> memref<16384xf32, #tpu.memory_space<hbm>>
    %dma_wait3A_182 = tpu.memref_slice %arg5[%add3A_69] : memref<16777216xf32, #tpu.memory_space<hbm>> -> memref<16384xf32, #tpu.memory_space<hbm>>
    tpu.wait_dma2 semaphore(%arg10 : memref<!tpu.dma_semaphore, #tpu.memory_space<semaphore_mem>>) src(%arg6 : memref<16384xf32, #tpu.memory_space<vmem>>) dst(%dma_wait3A_182 : memref<16384xf32, #tpu.memory_space<hbm>>)
    %dma_wait3A_183 = tpu.memref_slice %arg5[%add3A_73] : memref<16777216xf32, #tpu.memory_space<hbm>> -> memref<16384xf32, #tpu.memory_space<hbm>>
    %dma_wait3A_184 = tpu.memref_slice %arg5[%add3A_73] : memref<16777216xf32, #tpu.memory_space<hbm>> -> memref<16384xf32, #tpu.memory_space<hbm>>
    tpu.wait_dma2 semaphore(%arg10 : memref<!tpu.dma_semaphore, #tpu.memory_space<semaphore_mem>>) src(%arg6 : memref<16384xf32, #tpu.memory_space<vmem>>) dst(%dma_wait3A_184 : memref<16384xf32, #tpu.memory_space<hbm>>)
    %dma_wait3A_185 = tpu.memref_slice %arg5[%add3A_77] : memref<16777216xf32, #tpu.memory_space<hbm>> -> memref<16384xf32, #tpu.memory_space<hbm>>
    %dma_wait3A_186 = tpu.memref_slice %arg5[%add3A_77] : memref<16777216xf32, #tpu.memory_space<hbm>> -> memref<16384xf32, #tpu.memory_space<hbm>>
    tpu.wait_dma2 semaphore(%arg10 : memref<!tpu.dma_semaphore, #tpu.memory_space<semaphore_mem>>) src(%arg6 : memref<16384xf32, #tpu.memory_space<vmem>>) dst(%dma_wait3A_186 : memref<16384xf32, #tpu.memory_space<hbm>>)
    %dma_wait3A_187 = tpu.memref_slice %arg5[%add3A_81] : memref<16777216xf32, #tpu.memory_space<hbm>> -> memref<16384xf32, #tpu.memory_space<hbm>>
    %dma_wait3A_188 = tpu.memref_slice %arg5[%add3A_81] : memref<16777216xf32, #tpu.memory_space<hbm>> -> memref<16384xf32, #tpu.memory_space<hbm>>
    tpu.wait_dma2 semaphore(%arg10 : memref<!tpu.dma_semaphore, #tpu.memory_space<semaphore_mem>>) src(%arg6 : memref<16384xf32, #tpu.memory_space<vmem>>) dst(%dma_wait3A_188 : memref<16384xf32, #tpu.memory_space<hbm>>)
    %dma_wait3A_189 = tpu.memref_slice %arg5[%add3A_85] : memref<16777216xf32, #tpu.memory_space<hbm>> -> memref<16384xf32, #tpu.memory_space<hbm>>
    %dma_wait3A_190 = tpu.memref_slice %arg5[%add3A_85] : memref<16777216xf32, #tpu.memory_space<hbm>> -> memref<16384xf32, #tpu.memory_space<hbm>>
    tpu.wait_dma2 semaphore(%arg10 : memref<!tpu.dma_semaphore, #tpu.memory_space<semaphore_mem>>) src(%arg6 : memref<16384xf32, #tpu.memory_space<vmem>>) dst(%dma_wait3A_190 : memref<16384xf32, #tpu.memory_space<hbm>>)
    %dma_wait3A_191 = tpu.memref_slice %arg5[%add3A_89] : memref<16777216xf32, #tpu.memory_space<hbm>> -> memref<16384xf32, #tpu.memory_space<hbm>>
    %dma_wait3A_192 = tpu.memref_slice %arg5[%add3A_89] : memref<16777216xf32, #tpu.memory_space<hbm>> -> memref<16384xf32, #tpu.memory_space<hbm>>
    tpu.wait_dma2 semaphore(%arg10 : memref<!tpu.dma_semaphore, #tpu.memory_space<semaphore_mem>>) src(%arg6 : memref<16384xf32, #tpu.memory_space<vmem>>) dst(%dma_wait3A_192 : memref<16384xf32, #tpu.memory_space<hbm>>)
    %dma_wait3A_193 = tpu.memref_slice %arg5[%add3A_93] : memref<16777216xf32, #tpu.memory_space<hbm>> -> memref<16384xf32, #tpu.memory_space<hbm>>
    %dma_wait3A_194 = tpu.memref_slice %arg5[%add3A_93] : memref<16777216xf32, #tpu.memory_space<hbm>> -> memref<16384xf32, #tpu.memory_space<hbm>>
    tpu.wait_dma2 semaphore(%arg10 : memref<!tpu.dma_semaphore, #tpu.memory_space<semaphore_mem>>) src(%arg6 : memref<16384xf32, #tpu.memory_space<vmem>>) dst(%dma_wait3A_194 : memref<16384xf32, #tpu.memory_space<hbm>>)
    %dma_wait3A_195 = tpu.memref_slice %arg5[%add3A_97] : memref<16777216xf32, #tpu.memory_space<hbm>> -> memref<16384xf32, #tpu.memory_space<hbm>>
    %dma_wait3A_196 = tpu.memref_slice %arg5[%add3A_97] : memref<16777216xf32, #tpu.memory_space<hbm>> -> memref<16384xf32, #tpu.memory_space<hbm>>
    tpu.wait_dma2 semaphore(%arg10 : memref<!tpu.dma_semaphore, #tpu.memory_space<semaphore_mem>>) src(%arg6 : memref<16384xf32, #tpu.memory_space<vmem>>) dst(%dma_wait3A_196 : memref<16384xf32, #tpu.memory_space<hbm>>)
    %dma_wait3A_197 = tpu.memref_slice %arg5[%add3A_101] : memref<16777216xf32, #tpu.memory_space<hbm>> -> memref<16384xf32, #tpu.memory_space<hbm>>
    %dma_wait3A_198 = tpu.memref_slice %arg5[%add3A_101] : memref<16777216xf32, #tpu.memory_space<hbm>> -> memref<16384xf32, #tpu.memory_space<hbm>>
    tpu.wait_dma2 semaphore(%arg10 : memref<!tpu.dma_semaphore, #tpu.memory_space<semaphore_mem>>) src(%arg6 : memref<16384xf32, #tpu.memory_space<vmem>>) dst(%dma_wait3A_198 : memref<16384xf32, #tpu.memory_space<hbm>>)
    %dma_wait3A_199 = tpu.memref_slice %arg5[%add3A_105] : memref<16777216xf32, #tpu.memory_space<hbm>> -> memref<16384xf32, #tpu.memory_space<hbm>>
    %dma_wait3A_200 = tpu.memref_slice %arg5[%add3A_105] : memref<16777216xf32, #tpu.memory_space<hbm>> -> memref<16384xf32, #tpu.memory_space<hbm>>
    tpu.wait_dma2 semaphore(%arg10 : memref<!tpu.dma_semaphore, #tpu.memory_space<semaphore_mem>>) src(%arg6 : memref<16384xf32, #tpu.memory_space<vmem>>) dst(%dma_wait3A_200 : memref<16384xf32, #tpu.memory_space<hbm>>)
    %dma_wait3A_201 = tpu.memref_slice %arg5[%add3A_109] : memref<16777216xf32, #tpu.memory_space<hbm>> -> memref<16384xf32, #tpu.memory_space<hbm>>
    %dma_wait3A_202 = tpu.memref_slice %arg5[%add3A_109] : memref<16777216xf32, #tpu.memory_space<hbm>> -> memref<16384xf32, #tpu.memory_space<hbm>>
    tpu.wait_dma2 semaphore(%arg10 : memref<!tpu.dma_semaphore, #tpu.memory_space<semaphore_mem>>) src(%arg6 : memref<16384xf32, #tpu.memory_space<vmem>>) dst(%dma_wait3A_202 : memref<16384xf32, #tpu.memory_space<hbm>>)
    %dma_wait3A_203 = tpu.memref_slice %arg5[%add3A_113] : memref<16777216xf32, #tpu.memory_space<hbm>> -> memref<16384xf32, #tpu.memory_space<hbm>>
    %dma_wait3A_204 = tpu.memref_slice %arg5[%add3A_113] : memref<16777216xf32, #tpu.memory_space<hbm>> -> memref<16384xf32, #tpu.memory_space<hbm>>
    tpu.wait_dma2 semaphore(%arg10 : memref<!tpu.dma_semaphore, #tpu.memory_space<semaphore_mem>>) src(%arg6 : memref<16384xf32, #tpu.memory_space<vmem>>) dst(%dma_wait3A_204 : memref<16384xf32, #tpu.memory_space<hbm>>)
    %dma_wait3A_205 = tpu.memref_slice %arg5[%add3A_117] : memref<16777216xf32, #tpu.memory_space<hbm>> -> memref<16384xf32, #tpu.memory_space<hbm>>
    %dma_wait3A_206 = tpu.memref_slice %arg5[%add3A_117] : memref<16777216xf32, #tpu.memory_space<hbm>> -> memref<16384xf32, #tpu.memory_space<hbm>>
    tpu.wait_dma2 semaphore(%arg10 : memref<!tpu.dma_semaphore, #tpu.memory_space<semaphore_mem>>) src(%arg6 : memref<16384xf32, #tpu.memory_space<vmem>>) dst(%dma_wait3A_206 : memref<16384xf32, #tpu.memory_space<hbm>>)
    %dma_wait3A_207 = tpu.memref_slice %arg5[%add3A_121] : memref<16777216xf32, #tpu.memory_space<hbm>> -> memref<16384xf32, #tpu.memory_space<hbm>>
    %dma_wait3A_208 = tpu.memref_slice %arg5[%add3A_121] : memref<16777216xf32, #tpu.memory_space<hbm>> -> memref<16384xf32, #tpu.memory_space<hbm>>
    tpu.wait_dma2 semaphore(%arg10 : memref<!tpu.dma_semaphore, #tpu.memory_space<semaphore_mem>>) src(%arg6 : memref<16384xf32, #tpu.memory_space<vmem>>) dst(%dma_wait3A_208 : memref<16384xf32, #tpu.memory_space<hbm>>)
    %dma_wait3A_209 = tpu.memref_slice %arg5[%add3A_125] : memref<16777216xf32, #tpu.memory_space<hbm>> -> memref<16384xf32, #tpu.memory_space<hbm>>
    %dma_wait3A_210 = tpu.memref_slice %arg5[%add3A_125] : memref<16777216xf32, #tpu.memory_space<hbm>> -> memref<16384xf32, #tpu.memory_space<hbm>>
    tpu.wait_dma2 semaphore(%arg10 : memref<!tpu.dma_semaphore, #tpu.memory_space<semaphore_mem>>) src(%arg6 : memref<16384xf32, #tpu.memory_space<vmem>>) dst(%dma_wait3A_210 : memref<16384xf32, #tpu.memory_space<hbm>>)
    %dma_wait3A_211 = tpu.memref_slice %arg5[%add3A_129] : memref<16777216xf32, #tpu.memory_space<hbm>> -> memref<16384xf32, #tpu.memory_space<hbm>>
    %dma_wait3A_212 = tpu.memref_slice %arg5[%add3A_129] : memref<16777216xf32, #tpu.memory_space<hbm>> -> memref<16384xf32, #tpu.memory_space<hbm>>
    tpu.wait_dma2 semaphore(%arg10 : memref<!tpu.dma_semaphore, #tpu.memory_space<semaphore_mem>>) src(%arg6 : memref<16384xf32, #tpu.memory_space<vmem>>) dst(%dma_wait3A_212 : memref<16384xf32, #tpu.memory_space<hbm>>)
    %dma_wait3A_213 = tpu.memref_slice %arg5[%add3A_133] : memref<16777216xf32, #tpu.memory_space<hbm>> -> memref<16384xf32, #tpu.memory_space<hbm>>
    %dma_wait3A_214 = tpu.memref_slice %arg5[%add3A_133] : memref<16777216xf32, #tpu.memory_space<hbm>> -> memref<16384xf32, #tpu.memory_space<hbm>>
    tpu.wait_dma2 semaphore(%arg10 : memref<!tpu.dma_semaphore, #tpu.memory_space<semaphore_mem>>) src(%arg6 : memref<16384xf32, #tpu.memory_space<vmem>>) dst(%dma_wait3A_214 : memref<16384xf32, #tpu.memory_space<hbm>>)
    %dma_wait3A_215 = tpu.memref_slice %arg5[%add3A_137] : memref<16777216xf32, #tpu.memory_space<hbm>> -> memref<16384xf32, #tpu.memory_space<hbm>>
    %dma_wait3A_216 = tpu.memref_slice %arg5[%add3A_137] : memref<16777216xf32, #tpu.memory_space<hbm>> -> memref<16384xf32, #tpu.memory_space<hbm>>
    tpu.wait_dma2 semaphore(%arg10 : memref<!tpu.dma_semaphore, #tpu.memory_space<semaphore_mem>>) src(%arg6 : memref<16384xf32, #tpu.memory_space<vmem>>) dst(%dma_wait3A_216 : memref<16384xf32, #tpu.memory_space<hbm>>)
    %dma_wait3A_217 = tpu.memref_slice %arg5[%add3A_141] : memref<16777216xf32, #tpu.memory_space<hbm>> -> memref<16384xf32, #tpu.memory_space<hbm>>
    %dma_wait3A_218 = tpu.memref_slice %arg5[%add3A_141] : memref<16777216xf32, #tpu.memory_space<hbm>> -> memref<16384xf32, #tpu.memory_space<hbm>>
    tpu.wait_dma2 semaphore(%arg10 : memref<!tpu.dma_semaphore, #tpu.memory_space<semaphore_mem>>) src(%arg6 : memref<16384xf32, #tpu.memory_space<vmem>>) dst(%dma_wait3A_218 : memref<16384xf32, #tpu.memory_space<hbm>>)
    return
  }
}

</mosaic_0001>

<sc_bundles>
// kernel: kernel.3.cloned.1.call-start
scs
__scs_entry_jumppad:
0x0: {  	(pc) =	sbr.rel $0x88, $3  }
0x1: {  	(tag) =	ssettag $0x0;
	lr =	simm.s32 $0x1  }
0x2: {  	[smem:$0x3F9F] =	sst lr;
	_ =	strace $0xD0000000  }
0x3: {  	_ = 	snop  }
0x4: {  	_ = 	snop  }
0x5: {  	_ = 	snop  }
0x6: {  	_ = 	snop  }
0x7: {  	_ = 	snop  }
__scs_overlays_trampoline_lowered:
0x8: {  	[smem:$0x3FAE] =	sst s0  }
0x9: {  	[smem:$0x3FAF] =	sst s1  }
0xa: {  	[smem:$0x3FB0] =	sst s2  }
0xb: {  	[smem:$0x3FB1] =	sst s3  }
0xc: {  	[smem:$0x3FB2] =	sst s4  }
0xd: {  	[smem:$0x3FB3] =	sst s5  }
0xe: {  	[smem:$0x3FB4] =	sst s6  }
0xf: {  	[smem:$0x3FB5] =	sst s7  }
0x10: {  	[smem:$0x3FB6] =	sst s8  }
0x11: {  	[smem:$0x3FB7] =	sst s9;
	s0 =	simm.s32 @!p0 $0x0  }
0x12: {  	s1 =	sld [smem:$0x3F9D];
	s0 =	simm.s32 @p0 $0x1  }
0x13: {  	[smem:$0x3FB8] =	sst s0;
	s0 =	simm.s32 @!p1 $0x0  }
0x14: {  	s2 =	sld [smem:$0x3F9C];
	s0 =	simm.s32 @p1 $0x1  }
0x15: {  	[smem:$0x3FB9] =	sst s0;
	s0 =	simm.s32 @!p2 $0x0  }
0x16: {  	s3 =	sld [smem:$0x3FDB];
	s0 =	simm.s32 @p2 $0x1  }
0x17: {  	s4 =	simm.s32 $0x1BF5;
	[smem:$0x3FBB] =	sst s0  }
0x18: {  	s0 =	sld [smem:$0x3F9E];
	_ =	swait.ge [sflag:s4], $0x0  }
0x19: {  	s7 =	sld [smem:$0x3F9F]  }
0x1a: {  	s8 =	sadd.s32 $0xFFFFE003, lr  }
0x1b: {  	s9 =	sadd.s32 $0xFFFFFEF7, lr;
	s5 =	simm.s32 $0xFFFFFFFF;
	p2 =	slt.u32 s8, $0xFFFFF086  }
0x1c: {  	p1 =	slt.u32 s9, $0xF7A;
	s5 =	simm.s32 @!p2 $0x0  }
0x1d: {  	s5 =	simm.s32 @p1 $0x1;
	p0 =	seq.s32 s7, s2  }
0x1e: {  	s7 =	smul.u32 @!p0 $0xF7A, s2;
	p2 =	seq.s32 @!p0 s5, $0x0  }
0x1f: {  	s9 =	smul.u32 $0xF7A, s1;
	s8 =	simm.s32 @!p0 $0x1BF5;
	p2 =	por !p2, p0  }
0x20: {  	[sflag:s8] =	ssyncset.s32 @!p0 $0xFFFFF086;
	s6 =	sadd.s32 @!p0 s3, s7;
	s7 =	simm.s32 @!p0 $0x108  }
0x21: {  	s3 =	sadd.s32 s3, s9;
	s6 =	sadd.s32 @!p0 $0x88, s6;
	s7 =	simm.s32 @p2 $0x1082  }
0x22: {  	[simem:s7], [sflag:s8] =	dma.local @!p0 [hbm:s6], $0xF7A  }
0x23: {  	s9 =	sor.u32 $0xD0000000, s2;
	s6 =	simm.s32 $0x108;
	_ =	swait.ge @!p0 [sflag:s8], $0x0  }
0x24: {  	s3 =	sadd.s32 $0x88, s3;
	s6 =	simm.s32 @!p1 $0x1082;
	[sflag:s4] =	ssyncset.s32 $0xFFFFF086  }
0x25: {  	[simem:s6], [sflag:s4] =	dma.local [hbm:s3], $0xF7A  }
0x26: {  	[smem:$0x3F9F] =	sst s1;
	(tag) =	ssettag s2;
	_ =	strace s9  }
0x27: {  	s1 =	sld [smem:$0x3FAF]  }
0x28: {  	s2 =	sld [smem:$0x3FB0]  }
0x29: {  	s4 =	sld [smem:$0x3FB2]  }
0x2a: {  	p0 =	seq.s32 s5, $0x0;
	s5 =	sld [smem:$0x3FB3]  }
0x2b: {  	s6 =	sld [smem:$0x3FB4]  }
0x2c: {  	s7 =	sld [smem:$0x3FB5]  }
0x2d: {  	s3 =	simm.s32 $0x108;
	s8 =	sld [smem:$0x3FB6]  }
0x2e: {  	s3 =	simm.s32 @!p0 $0x1082;
	s9 =	sld [smem:$0x3FB7]  }
0x2f: {  	lr =	sadd.s32 s0, s3;
	s0 =	sld [smem:$0x3FAE]  }
0x30: {  	s3 =	sld [smem:$0x3FB1]  }
0x31: {  	[smem:$0x3FBA] =	sst s10  }
0x32: {  	s10 =	sld [smem:$0x3FB8];
	_ =	sdelay $0x3  }
0x33: {  	p0 =	seq.s32 s10, $0x1;
	s10 =	sld [smem:$0x3FBA];
	_ =	sdelay $0x3  }
0x34: {  	[smem:$0x3FBA] =	sst s10  }
0x35: {  	s10 =	sld [smem:$0x3FB9];
	_ =	sdelay $0x3  }
0x36: {  	p1 =	seq.s32 s10, $0x1;
	s10 =	sld [smem:$0x3FBA];
	_ =	sdelay $0x3  }
0x37: {  	[smem:$0x3FBA] =	sst s10  }
0x38: {  	s10 =	sld [smem:$0x3FBB]  }
0x39: {  	_ = 	snop;
	(pc) =	sbr.ind lr, $3  }
0x3a: {  	_ = 	snop  }
0x3b: {  	_ = 	snop  }
0x3c: {  	p2 =	seq.s32 s10, $0x1;
	s10 =	sld [smem:$0x3FBA]  }
0x3d: {  	_ =	shalt  }
0x3e: {  	_ =	shalt  }
0x3f: {  	_ =	shalt  }
0x40: {  	_ =	shalt  }
0x41: {  	_ =	shalt  }
0x42: {  	_ =	shalt  }
0x43: {  	_ =	shalt  }
0x44: {  	_ =	shalt  }
0x45: {  	_ =	shalt  }
0x46: {  	_ =	shalt  }
0x47: {  	_ =	shalt  }
0x48: {  	_ =	shalt  }
0x49: {  	_ =	shalt  }
0x4a: {  	_ =	shalt  }
0x4b: {  	_ =	shalt  }
0x4c: {  	_ =	shalt  }
0x4d: {  	_ =	shalt  }
0x4e: {  	_ =	shalt  }
0x4f: {  	_ =	shalt  }
0x50: {  	_ =	shalt  }
0x51: {  	_ =	shalt  }
0x52: {  	_ =	shalt  }
0x53: {  	_ =	shalt  }
0x54: {  	_ =	shalt  }
0x55: {  	_ =	shalt  }
0x56: {  	_ =	shalt  }
0x57: {  	_ =	shalt  }
0x58: {  	_ =	shalt  }
0x59: {  	_ =	shalt  }
0x5a: {  	_ =	shalt  }
0x5b: {  	_ =	shalt  }
0x5c: {  	_ =	shalt  }
0x5d: {  	_ =	shalt  }
0x5e: {  	_ =	shalt  }
0x5f: {  	_ =	shalt  }
0x60: {  	_ =	shalt  }
0x61: {  	_ =	shalt  }
0x62: {  	_ =	shalt  }
0x63: {  	_ =	shalt  }
0x64: {  	_ =	shalt  }
0x65: {  	_ =	shalt  }
0x66: {  	_ =	shalt  }
0x67: {  	_ =	shalt  }
0x68: {  	_ =	shalt  }
0x69: {  	_ =	shalt  }
0x6a: {  	_ =	shalt  }
0x6b: {  	_ =	shalt  }
0x6c: {  	_ =	shalt  }
0x6d: {  	_ =	shalt  }
0x6e: {  	_ =	shalt  }
0x6f: {  	_ =	shalt  }
0x70: {  	_ =	shalt  }
0x71: {  	_ =	shalt  }
0x72: {  	_ =	shalt  }
0x73: {  	_ =	shalt  }
0x74: {  	_ =	shalt  }
0x75: {  	_ =	shalt  }
0x76: {  	_ =	shalt  }
0x77: {  	_ =	shalt  }
0x78: {  	_ =	shalt  }
0x79: {  	_ =	shalt  }
0x7a: {  	_ =	shalt  }
0x7b: {  	_ =	shalt  }
0x7c: {  	_ =	shalt  }
0x7d: {  	_ =	shalt  }
0x7e: {  	_ =	shalt  }
0x7f: {  	_ =	shalt  }
0x80: {  	_ =	shalt  }
0x81: {  	_ =	shalt  }
0x82: {  	_ =	shalt  }
0x83: {  	_ =	shalt  }
0x84: {  	_ =	shalt  }
0x85: {  	_ =	shalt  }
0x86: {  	_ =	shalt  }
0x87: {  	_ =	shalt  }
.Lfunc_end0:
.L_simem_size_0:
called_computation_lowered:
.L_overlay_start_0:
0x88: {  	s2 =	sld [smem:$0x3FD9]  }
0x89: {  	s3 =	sld [smem:$0x3FFE];
	_ =	sdelay $0x1  }
0x8a: {  	s1 =	srdreg.scid  }
0x8b: {  	s0 =	sand.u32 $0x1, s1  }
0x8c: {  	s17 =	sshll.u32 s0, $0xA;
	s2 =	sadd.s32 s3, s2  }
0x8d: {  	s2 =	sadd.s32 s2, s17  }
0x8e: {  	[smem:$0x3FC6] =	sst s2  }
0x8f: {  	_ = 	snop  }
0x90: {  	s2 =	sld [smem:$0x3FD0];
	(tm) =	ssettm $0x1  }
0x91: {  	s18 =	sld [smem:$0x3FFB];
	_ =	sdelay $0x3  }
0x92: {  	_ =	strace s18  }
0x93: {  	s3 =	sld [smem:$0x3FFC];
	_ =	sdelay $0x3  }
0x94: {  	_ =	strace s3  }
0x95: {  	s3 =	sld [smem:$0x3FFD];
	_ =	sdelay $0x3  }
0x96: {  	_ =	strace s3  }
0x97: {  	_ =	strace $0x8FFFFFFF  }
0x98: {  	s19 =	sld [smem:$0x3FDB];
	_ =	sdelay $0x1  }
0x99: {  	s4 =	simm.s32 $_scs_section_size  }
0x9a: {  	s5 =	simm.s32 $_size__tile_overlayer_lowered;
	s6 =	simm.s32 $_tile_overlayer_lowered  }
0x9b: {  	s22 =	simm.s32 $0x1BFF;
	s21 =	sshll.u32 s6, $0x1;
	s3 =	sadd.s32 s4, s19  }
0x9c: {  	s7 =	simm.s32 $0x0;
	s20 =	sshll.u32 s5, $0x1;
	s5 =	sadd.s32 s21, s3  }
0x9d: {  	[timem:s7], [sflag:s22] =	dma.local [hbm:s5], s20  }
0x9e: {  	_ =	swait.ge [sflag:s22], s20  }
0x9f: {  	s4 =	ssub.s32 $0x0, s20;
	[sflag:s22] =	ssyncset.done $0x0  }
0xa0: {  	[sflag:s22] =	ssyncadd.s32 s4;
	_ =	sdelay $0x1  }
0xa1: {  	s23 =	simm.s32 $0x1B8B  }
0xa2: {  	_ =	swait.ge [sflag:s23], $0x1  }
0xa3: {  	[sflag:s23] =	ssyncset.done $0x0  }
0xa4: {  	s25 =	simm.s32 $0x1B8E;
	s24 =	sld [smem:$0x3FFE];
	[sflag:s23] =	ssyncadd.s32 $0xFFFFFFFF  }
0xa5: {  	s26 =	simm.s32 $execute0_lowered;
	[smem:$0x3FD2] =	sst s25  }
0xa6: {  	s5 =	sshll.u32 s26, $0x1;
	_ =	strace $0x80000046;
	[dreg:$0x1] =	wrdreg $0xFFFFFFFF  }
0xa7: {  	s28 =	simm.s32 $_size_execute0_lowered;
	s3 =	sadd.s32 s3, s5;
	[dreg:$0x0] =	wrdreg $0x0  }
0xa8: {  	s5 =	sshll.u32 s28, $0x1;
	[dreg:$0x2] =	wrdreg s3  }
0xa9: {  	[dreg:$0x3] =	wrdreg s5  }
0xaa: {  	[dreg:$0x4] =	wrdreg $0xC0  }
0xab: {  	_ =	task [dreg:s7], $0x5FFFF  }
0xac: {  	[dreg:$0x1] =	wrdreg $0xFFFFFFFF  }
0xad: {  	[dreg:$0x0] =	wrdreg $0x60  }
0xae: {  	[dreg:$0x2] =	wrdreg s2  }
0xaf: {  	[dreg:$0x3] =	wrdreg s24  }
0xb0: {  	[dreg:$0x4] =	wrdreg $0x9  }
0xb1: {  	_ =	task.clear_ibuf [dreg:s7], $0x5FFFF;
	_ =	strace $0x90000046  }
0xb2: {  	s29 =	simm.s32 $0x9;
	_ =	strace $0x80000048  }
0xb3: {  	_ =	swait.ge [sflag:s29], $0x1  }
0xb4: {  	[sflag:s29] =	ssyncadd.s32 $0xFFFFFFFF  }
0xb5: {  	_ =	strace $0x90000048  }
0xb6: {  	_ =	sfence  }
0xb7: {  	s30 =	sld [smem:$0x0];
	_ =	sdelay $0x2  }
0xb8: {  	s31 =	sshll.u32 s1, $0xD;
	s1 =	sshrl.u32 s1, $0x2  }
0xb9: {  	s3 =	sand.u32 $0x4000, s31;
	s1 =	sadd.s32 s1, s30  }
0xba: {  	s0 =	sor.u32 s3, s0;
	s1 =	sshll.u32 s1, $0x11  }
0xbb: {  	s0 =	sor.u32 s1, s0  }
0xbc: {  	s0 =	sadd.s32 $0x8F2B, s0  }
0xbd: {  	[sflag:s0] =	ssyncadd.remote.s32 $0x1  }
0xbe: {  	_ =	sfence.sel $0xFFFF  }
0xbf: {  	[dreg:$0x0] =	wrdreg $0xFFFFFFFF;
	(pc) =	sbr.abs _section_cstart, $3  }
0xc0: {  	[dreg:$0x1] =	wrdreg $0xFFFFFFFF  }
0xc1: {  	_ =	task.clear_ibuf [dreg:s7], $0x2FFFF;
	_ =	strace $0x9FFFFFFF  }
0xc2: {  	(tm) =	ssettm $0x7FFFFFFF  }
0xc3: {  	_ =	shalt  }
tec
execute0_lowered:
.L_overlay_start_1:
0x0: {  	(tag) =	ssettag $0x1  }
0x1: {  	s3 =	srdreg.scid;
	s4 =	stileid.u32  }
0x2: {  	s0 =	rddreg [dreg:$0x0];
	s3 =	sand.u32 $0x1, s3;
	s4 =	sshll.u32 s4, $0x1  }
0x3: {  	s1 =	rddreg [dreg:$0x1];
	s2 =	simm.s32 $0x0;
	s4 =	sor.u32 s3, s4  }
0x4: {  	s10 =	simm.s32 $0x2;
	s5 =	sshll.u32 s4, $0x10;
	s4 =	smul.u32 $0x290, s4  }
0x5: {  	s11 =	simm.s32 $0x0;
	[smem:$0x7FF] =	sst s2;
	s3 =	ssub.s32 $0x2, s3  }
0x6: {  	_ =	strace $0x80000047;
	s7 =	sadd.s32 s5, s1;
	s0 =	sadd.s32 s0, s4  }
0x7: {  	s6 =	sshrl.u32 s3, $0x1;
	s16 =	sadd.s32 $0xA400, s7;
	[dreg:$0x3] =	wrdreg s0  }
0x8: {  	s3 =	ssub.s32 s3, s6;
	s17 =	sadd.s32 $0xAC00, s7;
	[dreg:$0x4] =	wrdreg s16  }
0x9: {  	s9 =	sadd.s32 s1, s4;
	s18 =	sadd.s32 $0xB400, s7;
	[dreg:$0x5] =	wrdreg s17  }
0xa: {  	s19 =	sadd.s32 $0xBC00, s7;
	s20 =	sadd.s32 $0xC400, s7;
	[dreg:$0x6] =	wrdreg s18  }
0xb: {  	s21 =	sadd.s32 $0xCC00, s7;
	s22 =	sadd.s32 $0xD400, s7;
	[dreg:$0x7] =	wrdreg s19  }
0xc: {  	s23 =	sadd.s32 $0xDC00, s7;
	s24 =	sadd.s32 $0xE400, s7;
	[dreg:$0x8] =	wrdreg s20  }
0xd: {  	s25 =	sadd.s32 $0xEC00, s7;
	s26 =	sadd.s32 $0xF400, s7;
	[dreg:$0x9] =	wrdreg s21  }
0xe: {  	s28 =	sadd.s32 $0x15400, s7;
	s29 =	sadd.s32 $0x15C00, s7;
	[dreg:$0xa] =	wrdreg s22  }
0xf: {  	s30 =	sadd.s32 $0x16400, s7;
	s31 =	sadd.s32 $0x16C00, s7;
	[dreg:$0xb] =	wrdreg s23  }
0x10: {  	s1 =	sadd.s32 $0x17C00, s7;
	s4 =	sadd.s32 $0x18400, s7;
	[dreg:$0xc] =	wrdreg s24  }
0x11: {  	s5 =	sadd.s32 $0x18C00, s7;
	s6 =	sadd.s32 $0x19400, s7;
	[dreg:$0xd] =	wrdreg s25  }
0x12: {  	s8 =	smax.u32 s3, $0x1;
	s3 =	simm.s32 $0x1;
	[dreg:$0xe] =	wrdreg s26  }
0x13: {  	s16 =	sadd.s32 $0xFC00, s7;
	s17 =	sadd.s32 $0x10400, s7;
	s18 =	sadd.s32 $0x10C00, s7  }
0x14: {  	s19 =	sadd.s32 $0x11400, s7;
	s20 =	sadd.s32 $0x11C00, s7;
	s21 =	sadd.s32 $0x12400, s7  }
0x15: {  	s22 =	sadd.s32 $0x12C00, s7;
	s23 =	sadd.s32 $0x13400, s7;
	s24 =	sadd.s32 $0x13C00, s7  }
0x16: {  	s25 =	sadd.s32 $0x14400, s7;
	s26 =	sadd.s32 $0x14C00, s7;
	s0 =	sadd.s32 $0x17400, s7  }
0x17: {  	v0 =	vimm.f32 $0.0e+00;
	s7 =	sadd.s32 $0x19C00, s7;
	s15 =	smov.u32 s9;
	s9 =	sadd.s32 $0x5200, s9  }
.LBB2_1:
0x18: {  	s12 =	simm.s32 $0x4000  }
0x19: {  	[tilespmem:s12], [sflag:$0x2] =	stream.linear.gather [hbm4b:s9+s2], $0x1480, $0x38;
	[tilespmem:$0x7D80] =	vst v63  }
0x1a: {  	s13 =	simm.s32 $0x5480  }
0x1b: {  	[tilespmem:s13], [sflag:$0x2] =	stream.linear.gather [hbm4b:s15+s2], $0x1480, $0x38;
	[tilespmem:$0x7D80] =	vst v63  }
0x1c: {  	s14 =	rddreg [dreg:$0x3];
	s13 =	simm.s32 $0x6900  }
0x1d: {  	[tilespmem:s13], [sflag:$0x2] =	stream.linear.gather [hbm4b:s14+s2], $0x1480, $0x38;
	[tilespmem:$0x7D80] =	vst v63  }
0x1e: {  	s12 =	simm.s32 $0x0;
	s13 =	simm.s32 $0x100  }
.LBB2_2:
0x1f: {  	p0 =	sne.s32 s13, $0xFF00;
	[tilespmem:s12+$0x30] =	vst v0;
	s14 =	smov.u32 s13;
	s13 =	sadd.s32 $0x100, s13  }
.Ltmp0:
0x20: {  	[tilespmem:s12+$0x20] =	vst v0;
	(pc) =	sbr.rel @p0 .LBB2_2-.Ltmp0, $3  }
0x21: {  	[tilespmem:s12+$0x0] =	vst v0  }
0x22: {  	[tilespmem:s12+$0x10] =	vst v0;
	_ =	sdelay $0x1  }
0x23: {  	s12 =	sshra.s32 s14, $0x2  }
0x24: {  	[tilespmem:s12+$0x30] =	vst v0  }
0x25: {  	[tilespmem:s12+$0x20] =	vst v0  }
0x26: {  	[tilespmem:s12+$0x0] =	vst v0  }
0x27: {  	[tilespmem:s12+$0x10] =	vst v0;
	s12 =	simm.s32 $0x0;
	s13 =	rddreg [dreg:$0x4]  }
0x28: {  	[hbm4b:s13+s12] =	stream.linear.scatter [tilespmem:s12], [sflag:$0x1], $0x4000, $0x38;
	[tilespmem:$0x7D80] =	vst v63  }
0x29: {  	s14 =	rddreg [dreg:$0x5]  }
0x2a: {  	[hbm4b:s14+s12] =	stream.linear.scatter [tilespmem:s12], [sflag:$0x1], $0x4000, $0x38;
	[tilespmem:$0x7D80] =	vst v63  }
0x2b: {  	s14 =	rddreg [dreg:$0x6]  }
0x2c: {  	[hbm4b:s14+s12] =	stream.linear.scatter [tilespmem:s12], [sflag:$0x1], $0x4000, $0x38;
	[tilespmem:$0x7D80] =	vst v63  }
0x2d: {  	s14 =	rddreg [dreg:$0x7]  }
0x2e: {  	[hbm4b:s14+s12] =	stream.linear.scatter [tilespmem:s12], [sflag:$0x1], $0x4000, $0x38;
	[tilespmem:$0x7D80] =	vst v63  }
0x2f: {  	s14 =	rddreg [dreg:$0x8]  }
0x30: {  	[hbm4b:s14+s12] =	stream.linear.scatter [tilespmem:s12], [sflag:$0x1], $0x4000, $0x38;
	[tilespmem:$0x7D80] =	vst v63  }
0x31: {  	s14 =	rddreg [dreg:$0x9]  }
0x32: {  	[hbm4b:s14+s12] =	stream.linear.scatter [tilespmem:s12], [sflag:$0x1], $0x4000, $0x38;
	[tilespmem:$0x7D80] =	vst v63  }
0x33: {  	s14 =	rddreg [dreg:$0xa]  }
0x34: {  	[hbm4b:s14+s12] =	stream.linear.scatter [tilespmem:s12], [sflag:$0x1], $0x4000, $0x38;
	[tilespmem:$0x7D80] =	vst v63  }
0x35: {  	s14 =	rddreg [dreg:$0xb]  }
0x36: {  	[hbm4b:s14+s12] =	stream.linear.scatter [tilespmem:s12], [sflag:$0x1], $0x4000, $0x38;
	[tilespmem:$0x7D80] =	vst v63  }
0x37: {  	s14 =	rddreg [dreg:$0xc]  }
0x38: {  	[hbm4b:s14+s12] =	stream.linear.scatter [tilespmem:s12], [sflag:$0x1], $0x4000, $0x38;
	[tilespmem:$0x7D80] =	vst v63  }
0x39: {  	s14 =	rddreg [dreg:$0xd]  }
0x3a: {  	[hbm4b:s14+s12] =	stream.linear.scatter [tilespmem:s12], [sflag:$0x1], $0x4000, $0x38;
	[tilespmem:$0x7D80] =	vst v63  }
0x3b: {  	s14 =	rddreg [dreg:$0xe]  }
0x3c: {  	[hbm4b:s14+s12] =	stream.linear.scatter [tilespmem:s12], [sflag:$0x1], $0x4000, $0x38;
	[tilespmem:$0x7D80] =	vst v63  }
0x3d: {  	_ = 	snop  }
0x3e: {  	[hbm4b:s16+s12] =	stream.linear.scatter [tilespmem:s12], [sflag:$0x1], $0x4000, $0x38;
	[tilespmem:$0x7D80] =	vst v63  }
0x3f: {  	_ = 	snop  }
0x40: {  	[hbm4b:s17+s12] =	stream.linear.scatter [tilespmem:s12], [sflag:$0x1], $0x4000, $0x38;
	[tilespmem:$0x7D80] =	vst v63  }
0x41: {  	_ = 	snop  }
0x42: {  	[hbm4b:s18+s12] =	stream.linear.scatter [tilespmem:s12], [sflag:$0x1], $0x4000, $0x38;
	[tilespmem:$0x7D80] =	vst v63  }
0x43: {  	_ = 	snop  }
0x44: {  	[hbm4b:s19+s12] =	stream.linear.scatter [tilespmem:s12], [sflag:$0x1], $0x4000, $0x38;
	[tilespmem:$0x7D80] =	vst v63  }
0x45: {  	_ = 	snop  }
0x46: {  	[hbm4b:s20+s12] =	stream.linear.scatter [tilespmem:s12], [sflag:$0x1], $0x4000, $0x38;
	[tilespmem:$0x7D80] =	vst v63  }
0x47: {  	_ = 	snop  }
0x48: {  	[hbm4b:s21+s12] =	stream.linear.scatter [tilespmem:s12], [sflag:$0x1], $0x4000, $0x38;
	[tilespmem:$0x7D80] =	vst v63  }
0x49: {  	_ = 	snop  }
0x4a: {  	[hbm4b:s22+s12] =	stream.linear.scatter [tilespmem:s12], [sflag:$0x1], $0x4000, $0x38;
	[tilespmem:$0x7D80] =	vst v63  }
0x4b: {  	_ = 	snop  }
0x4c: {  	[hbm4b:s23+s12] =	stream.linear.scatter [tilespmem:s12], [sflag:$0x1], $0x4000, $0x38;
	[tilespmem:$0x7D80] =	vst v63  }
0x4d: {  	_ = 	snop  }
0x4e: {  	[hbm4b:s24+s12] =	stream.linear.scatter [tilespmem:s12], [sflag:$0x1], $0x4000, $0x38;
	[tilespmem:$0x7D80] =	vst v63  }
0x4f: {  	_ = 	snop  }
0x50: {  	[hbm4b:s25+s12] =	stream.linear.scatter [tilespmem:s12], [sflag:$0x1], $0x4000, $0x38;
	[tilespmem:$0x7D80] =	vst v63  }
0x51: {  	_ = 	snop  }
0x52: {  	[hbm4b:s26+s12] =	stream.linear.scatter [tilespmem:s12], [sflag:$0x1], $0x4000, $0x38;
	[tilespmem:$0x7D80] =	vst v63  }
0x53: {  	_ = 	snop  }
0x54: {  	[hbm4b:s28+s12] =	stream.linear.scatter [tilespmem:s12], [sflag:$0x1], $0x4000, $0x38;
	[tilespmem:$0x7D80] =	vst v63  }
0x55: {  	_ = 	snop  }
0x56: {  	[hbm4b:s29+s12] =	stream.linear.scatter [tilespmem:s12], [sflag:$0x1], $0x4000, $0x38;
	[tilespmem:$0x7D80] =	vst v63  }
0x57: {  	_ = 	snop  }
0x58: {  	[hbm4b:s30+s12] =	stream.linear.scatter [tilespmem:s12], [sflag:$0x1], $0x4000, $0x38;
	[tilespmem:$0x7D80] =	vst v63  }
0x59: {  	_ = 	snop  }
0x5a: {  	[hbm4b:s31+s12] =	stream.linear.scatter [tilespmem:s12], [sflag:$0x1], $0x4000, $0x38;
	[tilespmem:$0x7D80] =	vst v63  }
0x5b: {  	_ = 	snop  }
0x5c: {  	[hbm4b:s0+s12] =	stream.linear.scatter [tilespmem:s12], [sflag:$0x1], $0x4000, $0x38;
	[tilespmem:$0x7D80] =	vst v63  }
0x5d: {  	_ = 	snop  }
0x5e: {  	[hbm4b:s1+s12] =	stream.linear.scatter [tilespmem:s12], [sflag:$0x1], $0x4000, $0x38;
	[tilespmem:$0x7D80] =	vst v63  }
0x5f: {  	_ = 	snop  }
0x60: {  	[hbm4b:s4+s12] =	stream.linear.scatter [tilespmem:s12], [sflag:$0x1], $0x4000, $0x38;
	[tilespmem:$0x7D80] =	vst v63  }
0x61: {  	_ = 	snop  }
0x62: {  	[hbm4b:s5+s12] =	stream.linear.scatter [tilespmem:s12], [sflag:$0x1], $0x4000, $0x38;
	[tilespmem:$0x7D80] =	vst v63  }
0x63: {  	_ = 	snop  }
0x64: {  	[hbm4b:s6+s12] =	stream.linear.scatter [tilespmem:s12], [sflag:$0x1], $0x4000, $0x38;
	[tilespmem:$0x7D80] =	vst v63  }
0x65: {  	_ = 	snop  }
0x66: {  	[hbm4b:s7+s12] =	stream.linear.scatter [tilespmem:s12], [sflag:$0x1], $0x4000, $0x38;
	[tilespmem:$0x7D80] =	vst v63  }
0x67: {  	_ =	swait.ge [sflag:s10], $0x1480  }
0x68: {  	[sflag:s10] =	ssyncset.done $0x0  }
0x69: {  	[sflag:s10] =	ssyncadd.s32 $0xFFFFEB80  }
0x6a: {  	_ =	swait.ge [sflag:s10], $0x1480  }
0x6b: {  	[sflag:s10] =	ssyncset.done $0x0  }
0x6c: {  	[sflag:s10] =	ssyncadd.s32 $0xFFFFEB80  }
0x6d: {  	_ =	swait.ge [sflag:s10], $0x1480  }
0x6e: {  	[sflag:s10] =	ssyncset.done $0x0  }
0x6f: {  	s12 =	simm.s32 $0x0;
	[sflag:s10] =	ssyncadd.s32 $0xFFFFEB80  }
0x70: {  	s13 =	simm.s32 $0x40;
	v1 =	vld [tilespmem:s12+$0x6900]  }
.LBB2_4:
0x71: {  	p0 =	sne.s32 s13, $0x51C0;
	v2 =	vld [tilespmem:s12+$0x4000]  }
0x72: {  	v3 =	vld [tilespmem:s12+$0x5480];
	_ =	sdelay $0x1  }
.Ltmp1:
0x73: {  	(pc) =	sbr.rel @p0 .LBB2_4-.Ltmp1, $4  }
0x74: {  	v1 =	vsub.f32 v1, v1  }
0x75: {  	v2 =	vshll.u32 v2, $0xC  }
0x76: {  	s14 =	sshra.s32 s13, $0x2;
	v2 =	vadd.s32 v3, v2;
	[tilespmem:s12+$0x6900] =	vst v1  }
0x77: {  	s13 =	sadd.s32 $0x40, s13;
	v1 =	vld [tilespmem:s14+$0x6900];
	[tilespmem:s12+$0x4000] =	vst v2;
	s12 =	smov.u32 s14  }
0x78: {  	v2 =	vld [tilespmem:s12+$0x4000]  }
0x79: {  	v3 =	vld [tilespmem:s12+$0x5480];
	_ =	sdelay $0x2  }
0x7a: {  	v1 =	vsub.f32 v1, v1  }
0x7b: {  	v2 =	vshll.u32 v2, $0xC  }
0x7c: {  	v2 =	vadd.s32 v3, v2;
	[tilespmem:s12+$0x6900] =	vst v1  }
0x7d: {  	[tilespmem:s12+$0x4000] =	vst v2  }
0x7e: {  	_ =	swait.ge [sflag:s3], $0x4000  }
0x7f: {  	[sflag:s3] =	ssyncset.done $0x0  }
0x80: {  	[sflag:s3] =	ssyncadd.s32 $0xFFFFC000  }
0x81: {  	_ =	swait.ge [sflag:s3], $0x4000  }
0x82: {  	[sflag:s3] =	ssyncset.done $0x0  }
0x83: {  	[sflag:s3] =	ssyncadd.s32 $0xFFFFC000  }
0x84: {  	_ =	swait.ge [sflag:s3], $0x4000  }
0x85: {  	[sflag:s3] =	ssyncset.done $0x0  }
0x86: {  	[sflag:s3] =	ssyncadd.s32 $0xFFFFC000  }
0x87: {  	_ =	swait.ge [sflag:s3], $0x4000  }
0x88: {  	[sflag:s3] =	ssyncset.done $0x0  }
0x89: {  	[sflag:s3] =	ssyncadd.s32 $0xFFFFC000  }
0x8a: {  	_ =	swait.ge [sflag:s3], $0x4000  }
0x8b: {  	[sflag:s3] =	ssyncset.done $0x0  }
0x8c: {  	[sflag:s3] =	ssyncadd.s32 $0xFFFFC000  }
0x8d: {  	_ =	swait.ge [sflag:s3], $0x4000  }
0x8e: {  	[sflag:s3] =	ssyncset.done $0x0  }
0x8f: {  	[sflag:s3] =	ssyncadd.s32 $0xFFFFC000  }
0x90: {  	_ =	swait.ge [sflag:s3], $0x4000  }
0x91: {  	[sflag:s3] =	ssyncset.done $0x0  }
0x92: {  	[sflag:s3] =	ssyncadd.s32 $0xFFFFC000  }
0x93: {  	_ =	swait.ge [sflag:s3], $0x4000  }
0x94: {  	[sflag:s3] =	ssyncset.done $0x0  }
0x95: {  	[sflag:s3] =	ssyncadd.s32 $0xFFFFC000  }
0x96: {  	_ =	swait.ge [sflag:s3], $0x4000  }
0x97: {  	[sflag:s3] =	ssyncset.done $0x0  }
0x98: {  	[sflag:s3] =	ssyncadd.s32 $0xFFFFC000  }
0x99: {  	_ =	swait.ge [sflag:s3], $0x4000  }
0x9a: {  	[sflag:s3] =	ssyncset.done $0x0  }
0x9b: {  	[sflag:s3] =	ssyncadd.s32 $0xFFFFC000  }
0x9c: {  	_ =	swait.ge [sflag:s3], $0x4000  }
0x9d: {  	[sflag:s3] =	ssyncset.done $0x0  }
0x9e: {  	[sflag:s3] =	ssyncadd.s32 $0xFFFFC000  }
0x9f: {  	_ =	swait.ge [sflag:s3], $0x4000  }
0xa0: {  	[sflag:s3] =	ssyncset.done $0x0  }
0xa1: {  	[sflag:s3] =	ssyncadd.s32 $0xFFFFC000  }
0xa2: {  	_ =	swait.ge [sflag:s3], $0x4000  }
0xa3: {  	[sflag:s3] =	ssyncset.done $0x0  }
0xa4: {  	[sflag:s3] =	ssyncadd.s32 $0xFFFFC000  }
0xa5: {  	_ =	swait.ge [sflag:s3], $0x4000  }
0xa6: {  	[sflag:s3] =	ssyncset.done $0x0  }
0xa7: {  	[sflag:s3] =	ssyncadd.s32 $0xFFFFC000  }
0xa8: {  	_ =	swait.ge [sflag:s3], $0x4000  }
0xa9: {  	[sflag:s3] =	ssyncset.done $0x0  }
0xaa: {  	[sflag:s3] =	ssyncadd.s32 $0xFFFFC000  }
0xab: {  	_ =	swait.ge [sflag:s3], $0x4000  }
0xac: {  	[sflag:s3] =	ssyncset.done $0x0  }
0xad: {  	[sflag:s3] =	ssyncadd.s32 $0xFFFFC000  }
0xae: {  	_ =	swait.ge [sflag:s3], $0x4000  }
0xaf: {  	[sflag:s3] =	ssyncset.done $0x0  }
0xb0: {  	[sflag:s3] =	ssyncadd.s32 $0xFFFFC000  }
0xb1: {  	_ =	swait.ge [sflag:s3], $0x4000  }
0xb2: {  	[sflag:s3] =	ssyncset.done $0x0  }
0xb3: {  	[sflag:s3] =	ssyncadd.s32 $0xFFFFC000  }
0xb4: {  	_ =	swait.ge [sflag:s3], $0x4000  }
0xb5: {  	[sflag:s3] =	ssyncset.done $0x0  }
0xb6: {  	[sflag:s3] =	ssyncadd.s32 $0xFFFFC000  }
0xb7: {  	_ =	swait.ge [sflag:s3], $0x4000  }
0xb8: {  	[sflag:s3] =	ssyncset.done $0x0  }
0xb9: {  	[sflag:s3] =	ssyncadd.s32 $0xFFFFC000  }
0xba: {  	_ =	swait.ge [sflag:s3], $0x4000  }
0xbb: {  	[sflag:s3] =	ssyncset.done $0x0  }
0xbc: {  	[sflag:s3] =	ssyncadd.s32 $0xFFFFC000  }
0xbd: {  	_ =	swait.ge [sflag:s3], $0x4000  }
0xbe: {  	[sflag:s3] =	ssyncset.done $0x0  }
0xbf: {  	[sflag:s3] =	ssyncadd.s32 $0xFFFFC000  }
0xc0: {  	_ =	swait.ge [sflag:s3], $0x4000  }
0xc1: {  	[sflag:s3] =	ssyncset.done $0x0  }
0xc2: {  	[sflag:s3] =	ssyncadd.s32 $0xFFFFC000  }
0xc3: {  	_ =	swait.ge [sflag:s3], $0x4000  }
0xc4: {  	[sflag:s3] =	ssyncset.done $0x0  }
0xc5: {  	[sflag:s3] =	ssyncadd.s32 $0xFFFFC000  }
0xc6: {  	_ =	swait.ge [sflag:s3], $0x4000  }
0xc7: {  	[sflag:s3] =	ssyncset.done $0x0  }
0xc8: {  	[sflag:s3] =	ssyncadd.s32 $0xFFFFC000  }
0xc9: {  	_ =	swait.ge [sflag:s3], $0x4000  }
0xca: {  	[sflag:s3] =	ssyncset.done $0x0  }
0xcb: {  	[sflag:s3] =	ssyncadd.s32 $0xFFFFC000  }
0xcc: {  	_ =	swait.ge [sflag:s3], $0x4000  }
0xcd: {  	[sflag:s3] =	ssyncset.done $0x0  }
0xce: {  	[sflag:s3] =	ssyncadd.s32 $0xFFFFC000  }
0xcf: {  	_ =	swait.ge [sflag:s3], $0x4000  }
0xd0: {  	[sflag:s3] =	ssyncset.done $0x0  }
0xd1: {  	[sflag:s3] =	ssyncadd.s32 $0xFFFFC000  }
0xd2: {  	_ =	swait.ge [sflag:s3], $0x4000  }
0xd3: {  	[sflag:s3] =	ssyncset.done $0x0  }
0xd4: {  	[sflag:s3] =	ssyncadd.s32 $0xFFFFC000  }
0xd5: {  	_ =	swait.ge [sflag:s3], $0x4000  }
0xd6: {  	[sflag:s3] =	ssyncset.done $0x0  }
0xd7: {  	s11 =	sadd.s32 $0x1, s11;
	[sflag:s3] =	ssyncadd.s32 $0xFFFFC000  }
0xd8: {  	p0 =	sne.s32 s11, s8;
	_ =	swait.ge [sflag:s3], $0x4000  }
.Ltmp2:
0xd9: {  	[sflag:s3] =	ssyncset.done $0x0;
	(pc) =	sbr.rel @p0 .LBB2_1-.Ltmp2, $4  }
0xda: {  	[sflag:s3] =	ssyncadd.s32 $0xFFFFC000  }
0xdb: {  	_ =	swait.ge [sflag:s3], $0x4000  }
0xdc: {  	[sflag:s3] =	ssyncset.done $0x0  }
0xdd: {  	[sflag:s3] =	ssyncadd.s32 $0xFFFFC000  }
0xde: {  	_ =	sfence.sel $0x180000  }
0xdf: {  	[bflag:$0x0] =	sbarrier.arrive $0xFFFF  }
0xe0: {  	_ =	strace $0x90000047  }
0xe1: {  	s0 =	stileid.u32;
	[bflag:$0x2] =	sbarrier.arrive $0xFFFF  }
0xe2: {  	p0 =	sne.s32 s0, $0x0;
	s0 =	rddreg [dreg:$0x2]  }
0xe3: {  	s0 =	sadd.s32 @!p0 $0x100000, s0  }
0xe4: {  	[sflag:s0] =	ssyncadd.tile.s32 @!p0 $0x1;
	_ =	shalt  }
.Lfunc_end2:
_tile_overlayer_lowered:
.L_overlay_start_2:
0xe5: {  	(tag) =	ssettag $0x2  }
0xe6: {  	s0 =	rddreg [dreg:$0x0];
	s2 =	stileid.u32  }
0xe7: {  	s1 =	rddreg [dreg:$0x1];
	p0 =	sne.s32 s2, $0x0  }
0xe8: {  	s3 =	rddreg [dreg:$0x2];
	[bflag:$0x3] =	sbarrier.arrive $0xFFFF;
	s2 =	simm.s32 @!p0 $0x1C03  }
0xe9: {  	[timem:s3], [sflag:s2] =	dma.local @!p0 [hbm:s0], s1  }
0xea: {  	s0 =	simm.s32 @!p0 $0x3  }
0xeb: {  	_ =	swait.ge @!p0 [sflag:s0], s1  }
0xec: {  	s1 =	ssub.s32 @!p0 $0x0, s1;
	[sflag:s0] =	ssyncset.done @!p0 $0x0  }
0xed: {  	[sflag:s0] =	ssyncadd.s32 @!p0 s1  }
0xee: {  	[bflag:$0x3] =	sbarrier.arrive $0xFFFF  }
0xef: {  	_ =	shalt  }

</sc_bundles>
